<compile_context>
chip_gen: v7x
topology: tpu7x:2x2x1
jax: 0.10.2.dev20260603
libtpu: 0.0.44.dev20260713+nightly
codegen_flags: <defaults>
</compile_context>

<pallas_src>
import functools

import jax
import jax.numpy as jnp
from jax import lax
from jax.experimental import pallas as pl
from jax.experimental.pallas import tpu as pltpu
from jax.experimental.pallas import tpu_sc as plsc

BATCH = 16384
DIM = 32
NC = 2
NS = 16
NW = NC * NS
B_PER_W = BATCH // NW
CHUNK = 128
NCHUNK = B_PER_W // CHUNK
GENDER_ROWS = 5
LANES = 16


PAD = DIM + 1


def _emb_body(uid_hbm, gid_hbm, utab_hbm, gtab_hbm, out_hbm,
              uidx_v, gidx_v, uv, gv, gtab_v, gtab_p, sem_in, sems_g, sem_w):
    wid = lax.axis_index("s") * NC + lax.axis_index("c")
    base = wid * B_PER_W
    stages = [
        pltpu.async_copy(uid_hbm.at[pl.ds(base, B_PER_W)], uidx_v, sem_in),
        pltpu.async_copy(gid_hbm.at[pl.ds(base, B_PER_W)], gidx_v, sem_in),
        pltpu.async_copy(gtab_hbm, gtab_v, sem_in),
    ]
    for s in stages:
        s.wait()
    gathers = []
    for j in range(NCHUNK):
        rows = pl.ds(j * CHUNK, CHUNK)
        gathers.append(pltpu.async_copy(
            utab_hbm.at[uidx_v.at[rows]], uv.at[rows], sems_g.at[j]))
    for g in range(GENDER_ROWS):
        for h in range(DIM // LANES):
            gtab_p[g, pl.ds(h * LANES, LANES)] = gtab_v[g, pl.ds(h * LANES, LANES)]
    lane = lax.iota(jnp.int32, LANES)

    def group(i, carry):
        pos = i * LANES + lane
        rows = plsc.load_gather(gidx_v, [pos])
        for c in range(DIM):
            col = jnp.full((LANES,), c, jnp.int32)
            vals = plsc.load_gather(gtab_p, [rows, col])
            plsc.store_scatter(gv, [pos, col], vals)
        return carry

    lax.fori_loop(0, B_PER_W // LANES, group, 0)
    writes = [pltpu.async_copy(
        gv.at[:, pl.ds(0, DIM)],
        out_hbm.at[pl.ds(base, B_PER_W), pl.ds(DIM, DIM)], sem_w)]
    for j in range(NCHUNK):
        gathers[j].wait()
        rows = pl.ds(j * CHUNK, CHUNK)
        writes.append(pltpu.async_copy(
            uv.at[rows, pl.ds(0, DIM)],
            out_hbm.at[pl.ds(base + j * CHUNK, CHUNK), pl.ds(0, DIM)],
            sem_w))
    for w in writes:
        w.wait()


_emb = functools.partial(
    pl.kernel,
    out_type=jax.ShapeDtypeStruct((BATCH, 2 * DIM), jnp.float32),
    mesh=plsc.VectorSubcoreMesh(core_axis_name="c", subcore_axis_name="s"),
    compiler_params=pltpu.CompilerParams(
        use_tc_tiling_on_sc=False, needs_layout_passes=False),
    scratch_types=[
        pltpu.VMEM((B_PER_W,), jnp.int32),
        pltpu.VMEM((B_PER_W,), jnp.int32),
        pltpu.VMEM((B_PER_W, 4 * DIM), jnp.float32),
        pltpu.VMEM((B_PER_W, PAD), jnp.float32),
        pltpu.VMEM((GENDER_ROWS, DIM), jnp.float32),
        pltpu.VMEM((GENDER_ROWS, PAD), jnp.float32),
        pltpu.SemaphoreType.DMA,
        pltpu.SemaphoreType.DMA((NCHUNK,)),
        pltpu.SemaphoreType.DMA,
    ],
)(_emb_body)


def kernel(customer_id, category_by_Gender, user_table, gender_table):
    utab = jnp.pad(user_table, ((0, 0), (0, 128 - DIM)))
    return _emb(customer_id, category_by_Gender, utab, gender_table)

# --- scband reference (transcript-rebuilt; emitter-appended) ---
"""Pipeline reference for scband-user-model-2920577761297 (READ-ONLY COPY).

The authoritative reference and input builder live on the scoring server;
editing this copy changes nothing except your own understanding.
"""

import jax, jax.numpy as jnp
import numpy as np

USER_VOCAB = 100001  # 100000 unique ids + 1 StringLookup OOV bucket
GENDER_VOCAB = 5     # 4 unique categories + 1 OOV bucket
EMBED_DIM = 32
BATCH = 16384


def setup_inputs(seed: int = 0) -> dict:
    key = jax.random.key(seed)
    k1, k2, k3, k4 = jax.random.split(key, 4)
    customer_id = jax.random.randint(k1, (BATCH,), 0, USER_VOCAB, dtype=jnp.int64 if jax.config.jax_enable_x64 else jnp.int32).astype(jnp.int32)
    category_by_Gender = jax.random.randint(k2, (BATCH,), 0, GENDER_VOCAB).astype(jnp.int32)
    user_table = jax.random.normal(k3, (USER_VOCAB, EMBED_DIM), dtype=jnp.float32) * 0.05
    gender_table = jax.random.normal(k4, (GENDER_VOCAB, EMBED_DIM), dtype=jnp.float32) * 0.05
    return {
        "customer_id": customer_id,
        "category_by_Gender": category_by_Gender,
        "user_table": user_table,
        "gender_table": gender_table,
    }


def reference(customer_id, category_by_Gender, user_table, gender_table):
    # StringLookup is an id mapping; here ids are already integer-coded.
    user_emb = jnp.take(user_table, customer_id, axis=0)        # [B, 32]
    gender_emb = jnp.take(gender_table, category_by_Gender, axis=0)  # [B, 32]
    return jnp.concatenate([user_emb, gender_emb], axis=1)      # [B, 64]

if __name__ == "__main__":
    import jax
    _d = setup_inputs()
    print(jax.jit(kernel)(*tuple(_d.values())))

</pallas_src>

<mosaic_0001>
#map = affine_map<(d0, d1) -> (0)>
#map1 = affine_map<(d0, d1) -> (0, 0)>
module attributes {stable_mosaic.version = 14 : i64} {
  func.func @_emb_body(%arg0: i32, %arg1: i32, %arg2: memref<16384xi32, #tpu.memory_space<hbm>>, %arg3: memref<16384xi32, #tpu.memory_space<hbm>>, %arg4: memref<100001x128xf32, #tpu.memory_space<hbm>>, %arg5: memref<5x32xf32, #tpu.memory_space<hbm>>, %arg6: memref<16384x64xf32, #tpu.memory_space<hbm>>, %arg7: memref<512xi32, #tpu.memory_space<vmem>>, %arg8: memref<512xi32, #tpu.memory_space<vmem>>, %arg9: memref<512x128xf32, #tpu.memory_space<vmem>>, %arg10: memref<512x33xf32, #tpu.memory_space<vmem>>, %arg11: memref<5x32xf32, #tpu.memory_space<vmem>>, %arg12: memref<5x33xf32, #tpu.memory_space<vmem>>, %arg13: memref<!tpu.dma_semaphore, #tpu.memory_space<semaphore_mem>>, %arg14: memref<4x!tpu.dma_semaphore, #tpu.memory_space<semaphore_mem>>, %arg15: memref<!tpu.dma_semaphore, #tpu.memory_space<semaphore_mem>>) attributes {dimension_semantics = [#tpu.dimension_semantics<core_parallel>, #tpu.dimension_semantics<subcore_parallel>], iteration_bounds = array<i64: 2, 16>, scalar_prefetch = 0 : i64, scratch_operands = 9 : i64, tpu.core_type = #tpu.core_type<sc_vector_subcore>, window_params = [{transform_indices = #map}, {transform_indices = #map}, {transform_indices = #map1}, {transform_indices = #map1}, {transform_indices = #map1}]} {
    %mul3A = arith.constant 2 : i32
    %mul3A_0 = arith.muli %arg1, %mul3A : i32
    %add3A = arith.addi %mul3A_0, %arg0 : i32
    %mul3A_1 = arith.constant 512 : i32
    %mul3A_2 = arith.muli %add3A, %mul3A_1 : i32
    %dma_start3A = tpu.memref_slice %arg2[%mul3A_2] : memref<16384xi32, #tpu.memory_space<hbm>> -> memref<512xi32, #tpu.memory_space<hbm>>
    %dma_start3A_3 = tpu.memref_slice %arg2[%mul3A_2] : memref<16384xi32, #tpu.memory_space<hbm>> -> memref<512xi32, #tpu.memory_space<hbm>>
    tpu.enqueue_dma source(%dma_start3A_3 : memref<512xi32, #tpu.memory_space<hbm>>) target(%arg7 : memref<512xi32, #tpu.memory_space<vmem>>) target_semaphore(%arg13 : memref<!tpu.dma_semaphore, #tpu.memory_space<semaphore_mem>>)
    %dma_start3A_4 = tpu.memref_slice %arg3[%mul3A_2] : memref<16384xi32, #tpu.memory_space<hbm>> -> memref<512xi32, #tpu.memory_space<hbm>>
    %dma_start3A_5 = tpu.memref_slice %arg3[%mul3A_2] : memref<16384xi32, #tpu.memory_space<hbm>> -> memref<512xi32, #tpu.memory_space<hbm>>
    tpu.enqueue_dma source(%dma_start3A_5 : memref<512xi32, #tpu.memory_space<hbm>>) target(%arg8 : memref<512xi32, #tpu.memory_space<vmem>>) target_semaphore(%arg13 : memref<!tpu.dma_semaphore, #tpu.memory_space<semaphore_mem>>)
    tpu.enqueue_dma source(%arg5 : memref<5x32xf32, #tpu.memory_space<hbm>>) target(%arg11 : memref<5x32xf32, #tpu.memory_space<vmem>>) target_semaphore(%arg13 : memref<!tpu.dma_semaphore, #tpu.memory_space<semaphore_mem>>)
    %dma_wait3A = tpu.memref_slice %arg2[%mul3A_2] : memref<16384xi32, #tpu.memory_space<hbm>> -> memref<512xi32, #tpu.memory_space<hbm>>
    %dma_wait3A_6 = tpu.memref_slice %arg2[%mul3A_2] : memref<16384xi32, #tpu.memory_space<hbm>> -> memref<512xi32, #tpu.memory_space<hbm>>
    tpu.wait_dma2 semaphore(%arg13 : memref<!tpu.dma_semaphore, #tpu.memory_space<semaphore_mem>>) src(%dma_wait3A_6 : memref<512xi32, #tpu.memory_space<hbm>>) dst(%arg7 : memref<512xi32, #tpu.memory_space<vmem>>)
    %dma_wait3A_7 = tpu.memref_slice %arg3[%mul3A_2] : memref<16384xi32, #tpu.memory_space<hbm>> -> memref<512xi32, #tpu.memory_space<hbm>>
    %dma_wait3A_8 = tpu.memref_slice %arg3[%mul3A_2] : memref<16384xi32, #tpu.memory_space<hbm>> -> memref<512xi32, #tpu.memory_space<hbm>>
    tpu.wait_dma2 semaphore(%arg13 : memref<!tpu.dma_semaphore, #tpu.memory_space<semaphore_mem>>) src(%dma_wait3A_8 : memref<512xi32, #tpu.memory_space<hbm>>) dst(%arg8 : memref<512xi32, #tpu.memory_space<vmem>>)
    tpu.wait_dma2 semaphore(%arg13 : memref<!tpu.dma_semaphore, #tpu.memory_space<semaphore_mem>>) src(%arg5 : memref<5x32xf32, #tpu.memory_space<hbm>>) dst(%arg11 : memref<5x32xf32, #tpu.memory_space<vmem>>)
    %dma_start3A_9 = arith.constant 0 : i32
    %dma_start3A_10 = arith.constant 0 : i32
    %dma_start3A_11 = arith.constant 0 : i32
    %dma_start3A_12 = tpu.memref_slice %arg9[%dma_start3A_10, %dma_start3A_11] : memref<512x128xf32, #tpu.memory_space<vmem>> -> memref<128x128xf32, #tpu.memory_space<vmem>>
    %dma_start3A_13 = arith.constant 0 : i32
    %dma_start3A_14 = tpu.memref_slice %arg7[%dma_start3A_13] : memref<512xi32, #tpu.memory_space<vmem>> -> memref<128xi32, #tpu.memory_space<vmem>>
    %dma_start3A_15 = arith.constant 0 : i32
    %dma_start3A_16 = arith.constant 0 : i32
    %dma_start3A_17 = tpu.memref_slice %arg4[%dma_start3A_15, %dma_start3A_16] : memref<100001x128xf32, #tpu.memory_space<hbm>> -> memref<100001x128xf32, #tpu.memory_space<hbm>>
    %dma_start3A_18 = tpu.memref_slice %arg14[%dma_start3A_9] : memref<4x!tpu.dma_semaphore, #tpu.memory_space<semaphore_mem>> -> memref<1x!tpu.dma_semaphore, #tpu.memory_space<semaphore_mem>>
    %dma_start3A_19 = tpu.memref_squeeze %dma_start3A_18 : memref<1x!tpu.dma_semaphore, #tpu.memory_space<semaphore_mem>> -> memref<!tpu.dma_semaphore, #tpu.memory_space<semaphore_mem>>
    tpu.enqueue_indirect_dma source(%dma_start3A_17 : memref<100001x128xf32, #tpu.memory_space<hbm>>) target(%dma_start3A_12 : memref<128x128xf32, #tpu.memory_space<vmem>>) offsets(%dma_start3A_14 : memref<128xi32, #tpu.memory_space<vmem>>) semaphore(%dma_start3A_19 : memref<!tpu.dma_semaphore, #tpu.memory_space<semaphore_mem>>)
    %dma_start3A_20 = arith.constant 1 : i32
    %dma_start3A_21 = arith.constant 128 : i32
    %dma_start3A_22 = arith.constant 0 : i32
    %dma_start3A_23 = tpu.memref_slice %arg9[%dma_start3A_21, %dma_start3A_22] : memref<512x128xf32, #tpu.memory_space<vmem>> -> memref<128x128xf32, #tpu.memory_space<vmem>>
    %dma_start3A_24 = arith.constant 128 : i32
    %dma_start3A_25 = tpu.memref_slice %arg7[%dma_start3A_24] : memref<512xi32, #tpu.memory_space<vmem>> -> memref<128xi32, #tpu.memory_space<vmem>>
    %dma_start3A_26 = arith.constant 0 : i32
    %dma_start3A_27 = arith.constant 0 : i32
    %dma_start3A_28 = tpu.memref_slice %arg4[%dma_start3A_26, %dma_start3A_27] : memref<100001x128xf32, #tpu.memory_space<hbm>> -> memref<100001x128xf32, #tpu.memory_space<hbm>>
    %dma_start3A_29 = tpu.memref_slice %arg14[%dma_start3A_20] : memref<4x!tpu.dma_semaphore, #tpu.memory_space<semaphore_mem>> -> memref<1x!tpu.dma_semaphore, #tpu.memory_space<semaphore_mem>>
    %dma_start3A_30 = tpu.memref_squeeze %dma_start3A_29 : memref<1x!tpu.dma_semaphore, #tpu.memory_space<semaphore_mem>> -> memref<!tpu.dma_semaphore, #tpu.memory_space<semaphore_mem>>
    tpu.enqueue_indirect_dma source(%dma_start3A_28 : memref<100001x128xf32, #tpu.memory_space<hbm>>) target(%dma_start3A_23 : memref<128x128xf32, #tpu.memory_space<vmem>>) offsets(%dma_start3A_25 : memref<128xi32, #tpu.memory_space<vmem>>) semaphore(%dma_start3A_30 : memref<!tpu.dma_semaphore, #tpu.memory_space<semaphore_mem>>)
    %dma_start3A_31 = arith.constant 2 : i32
    %dma_start3A_32 = arith.constant 256 : i32
    %dma_start3A_33 = arith.constant 0 : i32
    %dma_start3A_34 = tpu.memref_slice %arg9[%dma_start3A_32, %dma_start3A_33] : memref<512x128xf32, #tpu.memory_space<vmem>> -> memref<128x128xf32, #tpu.memory_space<vmem>>
    %dma_start3A_35 = arith.constant 256 : i32
    %dma_start3A_36 = tpu.memref_slice %arg7[%dma_start3A_35] : memref<512xi32, #tpu.memory_space<vmem>> -> memref<128xi32, #tpu.memory_space<vmem>>
    %dma_start3A_37 = arith.constant 0 : i32
    %dma_start3A_38 = arith.constant 0 : i32
    %dma_start3A_39 = tpu.memref_slice %arg4[%dma_start3A_37, %dma_start3A_38] : memref<100001x128xf32, #tpu.memory_space<hbm>> -> memref<100001x128xf32, #tpu.memory_space<hbm>>
    %dma_start3A_40 = tpu.memref_slice %arg14[%dma_start3A_31] : memref<4x!tpu.dma_semaphore, #tpu.memory_space<semaphore_mem>> -> memref<1x!tpu.dma_semaphore, #tpu.memory_space<semaphore_mem>>
    %dma_start3A_41 = tpu.memref_squeeze %dma_start3A_40 : memref<1x!tpu.dma_semaphore, #tpu.memory_space<semaphore_mem>> -> memref<!tpu.dma_semaphore, #tpu.memory_space<semaphore_mem>>
    tpu.enqueue_indirect_dma source(%dma_start3A_39 : memref<100001x128xf32, #tpu.memory_space<hbm>>) target(%dma_start3A_34 : memref<128x128xf32, #tpu.memory_space<vmem>>) offsets(%dma_start3A_36 : memref<128xi32, #tpu.memory_space<vmem>>) semaphore(%dma_start3A_41 : memref<!tpu.dma_semaphore, #tpu.memory_space<semaphore_mem>>)
    %dma_start3A_42 = arith.constant 3 : i32
    %dma_start3A_43 = arith.constant 384 : i32
    %dma_start3A_44 = arith.constant 0 : i32
    %dma_start3A_45 = tpu.memref_slice %arg9[%dma_start3A_43, %dma_start3A_44] : memref<512x128xf32, #tpu.memory_space<vmem>> -> memref<128x128xf32, #tpu.memory_space<vmem>>
    %dma_start3A_46 = arith.constant 384 : i32
    %dma_start3A_47 = tpu.memref_slice %arg7[%dma_start3A_46] : memref<512xi32, #tpu.memory_space<vmem>> -> memref<128xi32, #tpu.memory_space<vmem>>
    %dma_start3A_48 = arith.constant 0 : i32
    %dma_start3A_49 = arith.constant 0 : i32
    %dma_start3A_50 = tpu.memref_slice %arg4[%dma_start3A_48, %dma_start3A_49] : memref<100001x128xf32, #tpu.memory_space<hbm>> -> memref<100001x128xf32, #tpu.memory_space<hbm>>
    %dma_start3A_51 = tpu.memref_slice %arg14[%dma_start3A_42] : memref<4x!tpu.dma_semaphore, #tpu.memory_space<semaphore_mem>> -> memref<1x!tpu.dma_semaphore, #tpu.memory_space<semaphore_mem>>
    %dma_start3A_52 = tpu.memref_squeeze %dma_start3A_51 : memref<1x!tpu.dma_semaphore, #tpu.memory_space<semaphore_mem>> -> memref<!tpu.dma_semaphore, #tpu.memory_space<semaphore_mem>>
    tpu.enqueue_indirect_dma source(%dma_start3A_50 : memref<100001x128xf32, #tpu.memory_space<hbm>>) target(%dma_start3A_45 : memref<128x128xf32, #tpu.memory_space<vmem>>) offsets(%dma_start3A_47 : memref<128xi32, #tpu.memory_space<vmem>>) semaphore(%dma_start3A_52 : memref<!tpu.dma_semaphore, #tpu.memory_space<semaphore_mem>>)
    %get3A = arith.constant 0 : i32
    %get3A_53 = arith.index_cast %get3A : i32 to index
    %get3A_54 = arith.constant 0 : index
    %get3A_55 = tpu.vector_load %arg11[%get3A_53, %get3A_54] {strides = array<i32>} : memref<5x32xf32, #tpu.memory_space<vmem>>, vector<16xf32>,
    %swap3A = arith.constant 0 : i32
    %swap3A_56 = arith.index_cast %swap3A : i32 to index
    %swap3A_57 = arith.constant 0 : index
    %swap3A_58 = tpu.vector_load %arg12[%swap3A_56, %swap3A_57] {strides = array<i32>} : memref<5x33xf32, #tpu.memory_space<vmem>>, vector<16xf32>,
    tpu.vector_store %arg12[%swap3A_56, %swap3A_57], %get3A_55 {strides = array<i32>} : memref<5x33xf32, #tpu.memory_space<vmem>>, vector<16xf32>,
    %get3A_59 = arith.constant 0 : i32
    %get3A_60 = arith.index_cast %get3A_59 : i32 to index
    %get3A_61 = arith.constant 16 : index
    %get3A_62 = tpu.vector_load %arg11[%get3A_60, %get3A_61] {strides = array<i32>} : memref<5x32xf32, #tpu.memory_space<vmem>>, vector<16xf32>,
    %swap3A_63 = arith.constant 0 : i32
    %swap3A_64 = arith.index_cast %swap3A_63 : i32 to index
    %swap3A_65 = arith.constant 16 : index
    %swap3A_66 = tpu.vector_load %arg12[%swap3A_64, %swap3A_65] {strides = array<i32>} : memref<5x33xf32, #tpu.memory_space<vmem>>, vector<16xf32>,
    tpu.vector_store %arg12[%swap3A_64, %swap3A_65], %get3A_62 {strides = array<i32>} : memref<5x33xf32, #tpu.memory_space<vmem>>, vector<16xf32>,
    %get3A_67 = arith.constant 1 : i32
    %get3A_68 = arith.index_cast %get3A_67 : i32 to index
    %get3A_69 = arith.constant 0 : index
    %get3A_70 = tpu.vector_load %arg11[%get3A_68, %get3A_69] {strides = array<i32>} : memref<5x32xf32, #tpu.memory_space<vmem>>, vector<16xf32>,
    %swap3A_71 = arith.constant 1 : i32
    %swap3A_72 = arith.index_cast %swap3A_71 : i32 to index
    %swap3A_73 = arith.constant 0 : index
    %swap3A_74 = tpu.vector_load %arg12[%swap3A_72, %swap3A_73] {strides = array<i32>} : memref<5x33xf32, #tpu.memory_space<vmem>>, vector<16xf32>,
    tpu.vector_store %arg12[%swap3A_72, %swap3A_73], %get3A_70 {strides = array<i32>} : memref<5x33xf32, #tpu.memory_space<vmem>>, vector<16xf32>,
    %get3A_75 = arith.constant 1 : i32
    %get3A_76 = arith.index_cast %get3A_75 : i32 to index
    %get3A_77 = arith.constant 16 : index
    %get3A_78 = tpu.vector_load %arg11[%get3A_76, %get3A_77] {strides = array<i32>} : memref<5x32xf32, #tpu.memory_space<vmem>>, vector<16xf32>,
    %swap3A_79 = arith.constant 1 : i32
    %swap3A_80 = arith.index_cast %swap3A_79 : i32 to index
    %swap3A_81 = arith.constant 16 : index
    %swap3A_82 = tpu.vector_load %arg12[%swap3A_80, %swap3A_81] {strides = array<i32>} : memref<5x33xf32, #tpu.memory_space<vmem>>, vector<16xf32>,
    tpu.vector_store %arg12[%swap3A_80, %swap3A_81], %get3A_78 {strides = array<i32>} : memref<5x33xf32, #tpu.memory_space<vmem>>, vector<16xf32>,
    %get3A_83 = arith.constant 2 : i32
    %get3A_84 = arith.index_cast %get3A_83 : i32 to index
    %get3A_85 = arith.constant 0 : index
    %get3A_86 = tpu.vector_load %arg11[%get3A_84, %get3A_85] {strides = array<i32>} : memref<5x32xf32, #tpu.memory_space<vmem>>, vector<16xf32>,
    %swap3A_87 = arith.constant 2 : i32
    %swap3A_88 = arith.index_cast %swap3A_87 : i32 to index
    %swap3A_89 = arith.constant 0 : index
    %swap3A_90 = tpu.vector_load %arg12[%swap3A_88, %swap3A_89] {strides = array<i32>} : memref<5x33xf32, #tpu.memory_space<vmem>>, vector<16xf32>,
    tpu.vector_store %arg12[%swap3A_88, %swap3A_89], %get3A_86 {strides = array<i32>} : memref<5x33xf32, #tpu.memory_space<vmem>>, vector<16xf32>,
    %get3A_91 = arith.constant 2 : i32
    %get3A_92 = arith.index_cast %get3A_91 : i32 to index
    %get3A_93 = arith.constant 16 : index
    %get3A_94 = tpu.vector_load %arg11[%get3A_92, %get3A_93] {strides = array<i32>} : memref<5x32xf32, #tpu.memory_space<vmem>>, vector<16xf32>,
    %swap3A_95 = arith.constant 2 : i32
    %swap3A_96 = arith.index_cast %swap3A_95 : i32 to index
    %swap3A_97 = arith.constant 16 : index
    %swap3A_98 = tpu.vector_load %arg12[%swap3A_96, %swap3A_97] {strides = array<i32>} : memref<5x33xf32, #tpu.memory_space<vmem>>, vector<16xf32>,
    tpu.vector_store %arg12[%swap3A_96, %swap3A_97], %get3A_94 {strides = array<i32>} : memref<5x33xf32, #tpu.memory_space<vmem>>, vector<16xf32>,
    %get3A_99 = arith.constant 3 : i32
    %get3A_100 = arith.index_cast %get3A_99 : i32 to index
    %get3A_101 = arith.constant 0 : index
    %get3A_102 = tpu.vector_load %arg11[%get3A_100, %get3A_101] {strides = array<i32>} : memref<5x32xf32, #tpu.memory_space<vmem>>, vector<16xf32>,
    %swap3A_103 = arith.constant 3 : i32
    %swap3A_104 = arith.index_cast %swap3A_103 : i32 to index
    %swap3A_105 = arith.constant 0 : index
    %swap3A_106 = tpu.vector_load %arg12[%swap3A_104, %swap3A_105] {strides = array<i32>} : memref<5x33xf32, #tpu.memory_space<vmem>>, vector<16xf32>,
    tpu.vector_store %arg12[%swap3A_104, %swap3A_105], %get3A_102 {strides = array<i32>} : memref<5x33xf32, #tpu.memory_space<vmem>>, vector<16xf32>,
    %get3A_107 = arith.constant 3 : i32
    %get3A_108 = arith.index_cast %get3A_107 : i32 to index
    %get3A_109 = arith.constant 16 : index
    %get3A_110 = tpu.vector_load %arg11[%get3A_108, %get3A_109] {strides = array<i32>} : memref<5x32xf32, #tpu.memory_space<vmem>>, vector<16xf32>,
    %swap3A_111 = arith.constant 3 : i32
    %swap3A_112 = arith.index_cast %swap3A_111 : i32 to index
    %swap3A_113 = arith.constant 16 : index
    %swap3A_114 = tpu.vector_load %arg12[%swap3A_112, %swap3A_113] {strides = array<i32>} : memref<5x33xf32, #tpu.memory_space<vmem>>, vector<16xf32>,
    tpu.vector_store %arg12[%swap3A_112, %swap3A_113], %get3A_110 {strides = array<i32>} : memref<5x33xf32, #tpu.memory_space<vmem>>, vector<16xf32>,
    %get3A_115 = arith.constant 4 : i32
    %get3A_116 = arith.index_cast %get3A_115 : i32 to index
    %get3A_117 = arith.constant 0 : index
    %get3A_118 = tpu.vector_load %arg11[%get3A_116, %get3A_117] {strides = array<i32>} : memref<5x32xf32, #tpu.memory_space<vmem>>, vector<16xf32>,
    %swap3A_119 = arith.constant 4 : i32
    %swap3A_120 = arith.index_cast %swap3A_119 : i32 to index
    %swap3A_121 = arith.constant 0 : index
    %swap3A_122 = tpu.vector_load %arg12[%swap3A_120, %swap3A_121] {strides = array<i32>} : memref<5x33xf32, #tpu.memory_space<vmem>>, vector<16xf32>,
    tpu.vector_store %arg12[%swap3A_120, %swap3A_121], %get3A_118 {strides = array<i32>} : memref<5x33xf32, #tpu.memory_space<vmem>>, vector<16xf32>,
    %get3A_123 = arith.constant 4 : i32
    %get3A_124 = arith.index_cast %get3A_123 : i32 to index
    %get3A_125 = arith.constant 16 : index
    %get3A_126 = tpu.vector_load %arg11[%get3A_124, %get3A_125] {strides = array<i32>} : memref<5x32xf32, #tpu.memory_space<vmem>>, vector<16xf32>,
    %swap3A_127 = arith.constant 4 : i32
    %swap3A_128 = arith.index_cast %swap3A_127 : i32 to index
    %swap3A_129 = arith.constant 16 : index
    %swap3A_130 = tpu.vector_load %arg12[%swap3A_128, %swap3A_129] {strides = array<i32>} : memref<5x33xf32, #tpu.memory_space<vmem>>, vector<16xf32>,
    tpu.vector_store %arg12[%swap3A_128, %swap3A_129], %get3A_126 {strides = array<i32>} : memref<5x33xf32, #tpu.memory_space<vmem>>, vector<16xf32>,
    %iota3A = tpu.iota {dimensions = array<i32: 0>} : vector<16xi32>
    %scan3A = arith.constant 0 : i32
    %scan3A_131 = arith.constant 0 : i32
    %scan3A_132 = arith.constant 32 : i32
    %scan3A_133 = arith.addi %scan3A_131, %scan3A_132 : i32
    %scan3A_134 = arith.constant 1 : i32
    scf.for %scan3A_288 = %scan3A_131 to %scan3A_133 step %scan3A_134  : i32 {
      %mul3A_289 = arith.constant 16 : i32
      %mul3A_290 = arith.muli %scan3A_288, %mul3A_289 : i32
      %add3A_291 = vector.broadcast %mul3A_290 : i32 to vector<16xi32>
      %add3A_292 = arith.addi %add3A_291, %iota3A : vector<16xi32>
      %gather3A = tpu.vector_load_idx %arg8[%add3A_292] : memref<512xi32, #tpu.memory_space<vmem>>[vector<16xi32>], vector<16xi32>,
      %broadcast_in_dim3A = arith.constant 0 : i32
      %broadcast_in_dim3A_293 = vector.broadcast %broadcast_in_dim3A : i32 to vector<16xi32>
      %gather3A_294 = tpu.vector_load_idx %arg12[%gather3A, %broadcast_in_dim3A_293] : memref<5x33xf32, #tpu.memory_space<vmem>>[vector<16xi32>, vector<16xi32>], vector<16xf32>,
      tpu.vector_store_idx %arg10[%add3A_292, %broadcast_in_dim3A_293], %gather3A_294 : memref<512x33xf32, #tpu.memory_space<vmem>>[vector<16xi32>, vector<16xi32>], vector<16xf32>,
      %broadcast_in_dim3A_295 = arith.constant 1 : i32
      %broadcast_in_dim3A_296 = vector.broadcast %broadcast_in_dim3A_295 : i32 to vector<16xi32>
      %gather3A_297 = tpu.vector_load_idx %arg12[%gather3A, %broadcast_in_dim3A_296] : memref<5x33xf32, #tpu.memory_space<vmem>>[vector<16xi32>, vector<16xi32>], vector<16xf32>,
      tpu.vector_store_idx %arg10[%add3A_292, %broadcast_in_dim3A_296], %gather3A_297 : memref<512x33xf32, #tpu.memory_space<vmem>>[vector<16xi32>, vector<16xi32>], vector<16xf32>,
      %broadcast_in_dim3A_298 = arith.constant 2 : i32
      %broadcast_in_dim3A_299 = vector.broadcast %broadcast_in_dim3A_298 : i32 to vector<16xi32>
      %gather3A_300 = tpu.vector_load_idx %arg12[%gather3A, %broadcast_in_dim3A_299] : memref<5x33xf32, #tpu.memory_space<vmem>>[vector<16xi32>, vector<16xi32>], vector<16xf32>,
      tpu.vector_store_idx %arg10[%add3A_292, %broadcast_in_dim3A_299], %gather3A_300 : memref<512x33xf32, #tpu.memory_space<vmem>>[vector<16xi32>, vector<16xi32>], vector<16xf32>,
      %broadcast_in_dim3A_301 = arith.constant 3 : i32
      %broadcast_in_dim3A_302 = vector.broadcast %broadcast_in_dim3A_301 : i32 to vector<16xi32>
      %gather3A_303 = tpu.vector_load_idx %arg12[%gather3A, %broadcast_in_dim3A_302] : memref<5x33xf32, #tpu.memory_space<vmem>>[vector<16xi32>, vector<16xi32>], vector<16xf32>,
      tpu.vector_store_idx %arg10[%add3A_292, %broadcast_in_dim3A_302], %gather3A_303 : memref<512x33xf32, #tpu.memory_space<vmem>>[vector<16xi32>, vector<16xi32>], vector<16xf32>,
      %broadcast_in_dim3A_304 = arith.constant 4 : i32
      %broadcast_in_dim3A_305 = vector.broadcast %broadcast_in_dim3A_304 : i32 to vector<16xi32>
      %gather3A_306 = tpu.vector_load_idx %arg12[%gather3A, %broadcast_in_dim3A_305] : memref<5x33xf32, #tpu.memory_space<vmem>>[vector<16xi32>, vector<16xi32>], vector<16xf32>,
      tpu.vector_store_idx %arg10[%add3A_292, %broadcast_in_dim3A_305], %gather3A_306 : memref<512x33xf32, #tpu.memory_space<vmem>>[vector<16xi32>, vector<16xi32>], vector<16xf32>,
      %broadcast_in_dim3A_307 = arith.constant 5 : i32
      %broadcast_in_dim3A_308 = vector.broadcast %broadcast_in_dim3A_307 : i32 to vector<16xi32>
      %gather3A_309 = tpu.vector_load_idx %arg12[%gather3A, %broadcast_in_dim3A_308] : memref<5x33xf32, #tpu.memory_space<vmem>>[vector<16xi32>, vector<16xi32>], vector<16xf32>,
      tpu.vector_store_idx %arg10[%add3A_292, %broadcast_in_dim3A_308], %gather3A_309 : memref<512x33xf32, #tpu.memory_space<vmem>>[vector<16xi32>, vector<16xi32>], vector<16xf32>,
      %broadcast_in_dim3A_310 = arith.constant 6 : i32
      %broadcast_in_dim3A_311 = vector.broadcast %broadcast_in_dim3A_310 : i32 to vector<16xi32>
      %gather3A_312 = tpu.vector_load_idx %arg12[%gather3A, %broadcast_in_dim3A_311] : memref<5x33xf32, #tpu.memory_space<vmem>>[vector<16xi32>, vector<16xi32>], vector<16xf32>,
      tpu.vector_store_idx %arg10[%add3A_292, %broadcast_in_dim3A_311], %gather3A_312 : memref<512x33xf32, #tpu.memory_space<vmem>>[vector<16xi32>, vector<16xi32>], vector<16xf32>,
      %broadcast_in_dim3A_313 = arith.constant 7 : i32
      %broadcast_in_dim3A_314 = vector.broadcast %broadcast_in_dim3A_313 : i32 to vector<16xi32>
      %gather3A_315 = tpu.vector_load_idx %arg12[%gather3A, %broadcast_in_dim3A_314] : memref<5x33xf32, #tpu.memory_space<vmem>>[vector<16xi32>, vector<16xi32>], vector<16xf32>,
      tpu.vector_store_idx %arg10[%add3A_292, %broadcast_in_dim3A_314], %gather3A_315 : memref<512x33xf32, #tpu.memory_space<vmem>>[vector<16xi32>, vector<16xi32>], vector<16xf32>,
      %broadcast_in_dim3A_316 = arith.constant 8 : i32
      %broadcast_in_dim3A_317 = vector.broadcast %broadcast_in_dim3A_316 : i32 to vector<16xi32>
      %gather3A_318 = tpu.vector_load_idx %arg12[%gather3A, %broadcast_in_dim3A_317] : memref<5x33xf32, #tpu.memory_space<vmem>>[vector<16xi32>, vector<16xi32>], vector<16xf32>,
      tpu.vector_store_idx %arg10[%add3A_292, %broadcast_in_dim3A_317], %gather3A_318 : memref<512x33xf32, #tpu.memory_space<vmem>>[vector<16xi32>, vector<16xi32>], vector<16xf32>,
      %broadcast_in_dim3A_319 = arith.constant 9 : i32
      %broadcast_in_dim3A_320 = vector.broadcast %broadcast_in_dim3A_319 : i32 to vector<16xi32>
      %gather3A_321 = tpu.vector_load_idx %arg12[%gather3A, %broadcast_in_dim3A_320] : memref<5x33xf32, #tpu.memory_space<vmem>>[vector<16xi32>, vector<16xi32>], vector<16xf32>,
      tpu.vector_store_idx %arg10[%add3A_292, %broadcast_in_dim3A_320], %gather3A_321 : memref<512x33xf32, #tpu.memory_space<vmem>>[vector<16xi32>, vector<16xi32>], vector<16xf32>,
      %broadcast_in_dim3A_322 = arith.constant 10 : i32
      %broadcast_in_dim3A_323 = vector.broadcast %broadcast_in_dim3A_322 : i32 to vector<16xi32>
      %gather3A_324 = tpu.vector_load_idx %arg12[%gather3A, %broadcast_in_dim3A_323] : memref<5x33xf32, #tpu.memory_space<vmem>>[vector<16xi32>, vector<16xi32>], vector<16xf32>,
      tpu.vector_store_idx %arg10[%add3A_292, %broadcast_in_dim3A_323], %gather3A_324 : memref<512x33xf32, #tpu.memory_space<vmem>>[vector<16xi32>, vector<16xi32>], vector<16xf32>,
      %broadcast_in_dim3A_325 = arith.constant 11 : i32
      %broadcast_in_dim3A_326 = vector.broadcast %broadcast_in_dim3A_325 : i32 to vector<16xi32>
      %gather3A_327 = tpu.vector_load_idx %arg12[%gather3A, %broadcast_in_dim3A_326] : memref<5x33xf32, #tpu.memory_space<vmem>>[vector<16xi32>, vector<16xi32>], vector<16xf32>,
      tpu.vector_store_idx %arg10[%add3A_292, %broadcast_in_dim3A_326], %gather3A_327 : memref<512x33xf32, #tpu.memory_space<vmem>>[vector<16xi32>, vector<16xi32>], vector<16xf32>,
      %broadcast_in_dim3A_328 = arith.constant 12 : i32
      %broadcast_in_dim3A_329 = vector.broadcast %broadcast_in_dim3A_328 : i32 to vector<16xi32>
      %gather3A_330 = tpu.vector_load_idx %arg12[%gather3A, %broadcast_in_dim3A_329] : memref<5x33xf32, #tpu.memory_space<vmem>>[vector<16xi32>, vector<16xi32>], vector<16xf32>,
      tpu.vector_store_idx %arg10[%add3A_292, %broadcast_in_dim3A_329], %gather3A_330 : memref<512x33xf32, #tpu.memory_space<vmem>>[vector<16xi32>, vector<16xi32>], vector<16xf32>,
      %broadcast_in_dim3A_331 = arith.constant 13 : i32
      %broadcast_in_dim3A_332 = vector.broadcast %broadcast_in_dim3A_331 : i32 to vector<16xi32>
      %gather3A_333 = tpu.vector_load_idx %arg12[%gather3A, %broadcast_in_dim3A_332] : memref<5x33xf32, #tpu.memory_space<vmem>>[vector<16xi32>, vector<16xi32>], vector<16xf32>,
      tpu.vector_store_idx %arg10[%add3A_292, %broadcast_in_dim3A_332], %gather3A_333 : memref<512x33xf32, #tpu.memory_space<vmem>>[vector<16xi32>, vector<16xi32>], vector<16xf32>,
      %broadcast_in_dim3A_334 = arith.constant 14 : i32
      %broadcast_in_dim3A_335 = vector.broadcast %broadcast_in_dim3A_334 : i32 to vector<16xi32>
      %gather3A_336 = tpu.vector_load_idx %arg12[%gather3A, %broadcast_in_dim3A_335] : memref<5x33xf32, #tpu.memory_space<vmem>>[vector<16xi32>, vector<16xi32>], vector<16xf32>,
      tpu.vector_store_idx %arg10[%add3A_292, %broadcast_in_dim3A_335], %gather3A_336 : memref<512x33xf32, #tpu.memory_space<vmem>>[vector<16xi32>, vector<16xi32>], vector<16xf32>,
      %broadcast_in_dim3A_337 = arith.constant 15 : i32
      %broadcast_in_dim3A_338 = vector.broadcast %broadcast_in_dim3A_337 : i32 to vector<16xi32>
      %gather3A_339 = tpu.vector_load_idx %arg12[%gather3A, %broadcast_in_dim3A_338] : memref<5x33xf32, #tpu.memory_space<vmem>>[vector<16xi32>, vector<16xi32>], vector<16xf32>,
      tpu.vector_store_idx %arg10[%add3A_292, %broadcast_in_dim3A_338], %gather3A_339 : memref<512x33xf32, #tpu.memory_space<vmem>>[vector<16xi32>, vector<16xi32>], vector<16xf32>,
      %broadcast_in_dim3A_340 = arith.constant 16 : i32
      %broadcast_in_dim3A_341 = vector.broadcast %broadcast_in_dim3A_340 : i32 to vector<16xi32>
      %gather3A_342 = tpu.vector_load_idx %arg12[%gather3A, %broadcast_in_dim3A_341] : memref<5x33xf32, #tpu.memory_space<vmem>>[vector<16xi32>, vector<16xi32>], vector<16xf32>,
      tpu.vector_store_idx %arg10[%add3A_292, %broadcast_in_dim3A_341], %gather3A_342 : memref<512x33xf32, #tpu.memory_space<vmem>>[vector<16xi32>, vector<16xi32>], vector<16xf32>,
      %broadcast_in_dim3A_343 = arith.constant 17 : i32
      %broadcast_in_dim3A_344 = vector.broadcast %broadcast_in_dim3A_343 : i32 to vector<16xi32>
      %gather3A_345 = tpu.vector_load_idx %arg12[%gather3A, %broadcast_in_dim3A_344] : memref<5x33xf32, #tpu.memory_space<vmem>>[vector<16xi32>, vector<16xi32>], vector<16xf32>,
      tpu.vector_store_idx %arg10[%add3A_292, %broadcast_in_dim3A_344], %gather3A_345 : memref<512x33xf32, #tpu.memory_space<vmem>>[vector<16xi32>, vector<16xi32>], vector<16xf32>,
      %broadcast_in_dim3A_346 = arith.constant 18 : i32
      %broadcast_in_dim3A_347 = vector.broadcast %broadcast_in_dim3A_346 : i32 to vector<16xi32>
      %gather3A_348 = tpu.vector_load_idx %arg12[%gather3A, %broadcast_in_dim3A_347] : memref<5x33xf32, #tpu.memory_space<vmem>>[vector<16xi32>, vector<16xi32>], vector<16xf32>,
      tpu.vector_store_idx %arg10[%add3A_292, %broadcast_in_dim3A_347], %gather3A_348 : memref<512x33xf32, #tpu.memory_space<vmem>>[vector<16xi32>, vector<16xi32>], vector<16xf32>,
      %broadcast_in_dim3A_349 = arith.constant 19 : i32
      %broadcast_in_dim3A_350 = vector.broadcast %broadcast_in_dim3A_349 : i32 to vector<16xi32>
      %gather3A_351 = tpu.vector_load_idx %arg12[%gather3A, %broadcast_in_dim3A_350] : memref<5x33xf32, #tpu.memory_space<vmem>>[vector<16xi32>, vector<16xi32>], vector<16xf32>,
      tpu.vector_store_idx %arg10[%add3A_292, %broadcast_in_dim3A_350], %gather3A_351 : memref<512x33xf32, #tpu.memory_space<vmem>>[vector<16xi32>, vector<16xi32>], vector<16xf32>,
      %broadcast_in_dim3A_352 = arith.constant 20 : i32
      %broadcast_in_dim3A_353 = vector.broadcast %broadcast_in_dim3A_352 : i32 to vector<16xi32>
      %gather3A_354 = tpu.vector_load_idx %arg12[%gather3A, %broadcast_in_dim3A_353] : memref<5x33xf32, #tpu.memory_space<vmem>>[vector<16xi32>, vector<16xi32>], vector<16xf32>,
      tpu.vector_store_idx %arg10[%add3A_292, %broadcast_in_dim3A_353], %gather3A_354 : memref<512x33xf32, #tpu.memory_space<vmem>>[vector<16xi32>, vector<16xi32>], vector<16xf32>,
      %broadcast_in_dim3A_355 = arith.constant 21 : i32
      %broadcast_in_dim3A_356 = vector.broadcast %broadcast_in_dim3A_355 : i32 to vector<16xi32>
      %gather3A_357 = tpu.vector_load_idx %arg12[%gather3A, %broadcast_in_dim3A_356] : memref<5x33xf32, #tpu.memory_space<vmem>>[vector<16xi32>, vector<16xi32>], vector<16xf32>,
      tpu.vector_store_idx %arg10[%add3A_292, %broadcast_in_dim3A_356], %gather3A_357 : memref<512x33xf32, #tpu.memory_space<vmem>>[vector<16xi32>, vector<16xi32>], vector<16xf32>,
      %broadcast_in_dim3A_358 = arith.constant 22 : i32
      %broadcast_in_dim3A_359 = vector.broadcast %broadcast_in_dim3A_358 : i32 to vector<16xi32>
      %gather3A_360 = tpu.vector_load_idx %arg12[%gather3A, %broadcast_in_dim3A_359] : memref<5x33xf32, #tpu.memory_space<vmem>>[vector<16xi32>, vector<16xi32>], vector<16xf32>,
      tpu.vector_store_idx %arg10[%add3A_292, %broadcast_in_dim3A_359], %gather3A_360 : memref<512x33xf32, #tpu.memory_space<vmem>>[vector<16xi32>, vector<16xi32>], vector<16xf32>,
      %broadcast_in_dim3A_361 = arith.constant 23 : i32
      %broadcast_in_dim3A_362 = vector.broadcast %broadcast_in_dim3A_361 : i32 to vector<16xi32>
      %gather3A_363 = tpu.vector_load_idx %arg12[%gather3A, %broadcast_in_dim3A_362] : memref<5x33xf32, #tpu.memory_space<vmem>>[vector<16xi32>, vector<16xi32>], vector<16xf32>,
      tpu.vector_store_idx %arg10[%add3A_292, %broadcast_in_dim3A_362], %gather3A_363 : memref<512x33xf32, #tpu.memory_space<vmem>>[vector<16xi32>, vector<16xi32>], vector<16xf32>,
      %broadcast_in_dim3A_364 = arith.constant 24 : i32
      %broadcast_in_dim3A_365 = vector.broadcast %broadcast_in_dim3A_364 : i32 to vector<16xi32>
      %gather3A_366 = tpu.vector_load_idx %arg12[%gather3A, %broadcast_in_dim3A_365] : memref<5x33xf32, #tpu.memory_space<vmem>>[vector<16xi32>, vector<16xi32>], vector<16xf32>,
      tpu.vector_store_idx %arg10[%add3A_292, %broadcast_in_dim3A_365], %gather3A_366 : memref<512x33xf32, #tpu.memory_space<vmem>>[vector<16xi32>, vector<16xi32>], vector<16xf32>,
      %broadcast_in_dim3A_367 = arith.constant 25 : i32
      %broadcast_in_dim3A_368 = vector.broadcast %broadcast_in_dim3A_367 : i32 to vector<16xi32>
      %gather3A_369 = tpu.vector_load_idx %arg12[%gather3A, %broadcast_in_dim3A_368] : memref<5x33xf32, #tpu.memory_space<vmem>>[vector<16xi32>, vector<16xi32>], vector<16xf32>,
      tpu.vector_store_idx %arg10[%add3A_292, %broadcast_in_dim3A_368], %gather3A_369 : memref<512x33xf32, #tpu.memory_space<vmem>>[vector<16xi32>, vector<16xi32>], vector<16xf32>,
      %broadcast_in_dim3A_370 = arith.constant 26 : i32
      %broadcast_in_dim3A_371 = vector.broadcast %broadcast_in_dim3A_370 : i32 to vector<16xi32>
      %gather3A_372 = tpu.vector_load_idx %arg12[%gather3A, %broadcast_in_dim3A_371] : memref<5x33xf32, #tpu.memory_space<vmem>>[vector<16xi32>, vector<16xi32>], vector<16xf32>,
      tpu.vector_store_idx %arg10[%add3A_292, %broadcast_in_dim3A_371], %gather3A_372 : memref<512x33xf32, #tpu.memory_space<vmem>>[vector<16xi32>, vector<16xi32>], vector<16xf32>,
      %broadcast_in_dim3A_373 = arith.constant 27 : i32
      %broadcast_in_dim3A_374 = vector.broadcast %broadcast_in_dim3A_373 : i32 to vector<16xi32>
      %gather3A_375 = tpu.vector_load_idx %arg12[%gather3A, %broadcast_in_dim3A_374] : memref<5x33xf32, #tpu.memory_space<vmem>>[vector<16xi32>, vector<16xi32>], vector<16xf32>,
      tpu.vector_store_idx %arg10[%add3A_292, %broadcast_in_dim3A_374], %gather3A_375 : memref<512x33xf32, #tpu.memory_space<vmem>>[vector<16xi32>, vector<16xi32>], vector<16xf32>,
      %broadcast_in_dim3A_376 = arith.constant 28 : i32
      %broadcast_in_dim3A_377 = vector.broadcast %broadcast_in_dim3A_376 : i32 to vector<16xi32>
      %gather3A_378 = tpu.vector_load_idx %arg12[%gather3A, %broadcast_in_dim3A_377] : memref<5x33xf32, #tpu.memory_space<vmem>>[vector<16xi32>, vector<16xi32>], vector<16xf32>,
      tpu.vector_store_idx %arg10[%add3A_292, %broadcast_in_dim3A_377], %gather3A_378 : memref<512x33xf32, #tpu.memory_space<vmem>>[vector<16xi32>, vector<16xi32>], vector<16xf32>,
      %broadcast_in_dim3A_379 = arith.constant 29 : i32
      %broadcast_in_dim3A_380 = vector.broadcast %broadcast_in_dim3A_379 : i32 to vector<16xi32>
      %gather3A_381 = tpu.vector_load_idx %arg12[%gather3A, %broadcast_in_dim3A_380] : memref<5x33xf32, #tpu.memory_space<vmem>>[vector<16xi32>, vector<16xi32>], vector<16xf32>,
      tpu.vector_store_idx %arg10[%add3A_292, %broadcast_in_dim3A_380], %gather3A_381 : memref<512x33xf32, #tpu.memory_space<vmem>>[vector<16xi32>, vector<16xi32>], vector<16xf32>,
      %broadcast_in_dim3A_382 = arith.constant 30 : i32
      %broadcast_in_dim3A_383 = vector.broadcast %broadcast_in_dim3A_382 : i32 to vector<16xi32>
      %gather3A_384 = tpu.vector_load_idx %arg12[%gather3A, %broadcast_in_dim3A_383] : memref<5x33xf32, #tpu.memory_space<vmem>>[vector<16xi32>, vector<16xi32>], vector<16xf32>,
      tpu.vector_store_idx %arg10[%add3A_292, %broadcast_in_dim3A_383], %gather3A_384 : memref<512x33xf32, #tpu.memory_space<vmem>>[vector<16xi32>, vector<16xi32>], vector<16xf32>,
      %broadcast_in_dim3A_385 = arith.constant 31 : i32
      %broadcast_in_dim3A_386 = vector.broadcast %broadcast_in_dim3A_385 : i32 to vector<16xi32>
      %gather3A_387 = tpu.vector_load_idx %arg12[%gather3A, %broadcast_in_dim3A_386] : memref<5x33xf32, #tpu.memory_space<vmem>>[vector<16xi32>, vector<16xi32>], vector<16xf32>,
      tpu.vector_store_idx %arg10[%add3A_292, %broadcast_in_dim3A_386], %gather3A_387 : memref<512x33xf32, #tpu.memory_space<vmem>>[vector<16xi32>, vector<16xi32>], vector<16xf32>,
    }
    %scan3A_135 = arith.constant 32 : i32
    %dma_start3A_136 = arith.constant 0 : i32
    %dma_start3A_137 = arith.constant 0 : i32
    %dma_start3A_138 = tpu.memref_slice %arg10[%dma_start3A_136, %dma_start3A_137] : memref<512x33xf32, #tpu.memory_space<vmem>> -> memref<512x32xf32, #tpu.memory_space<vmem>>
    %dma_start3A_139 = arith.constant 32 : i32
    %dma_start3A_140 = tpu.memref_slice %arg6[%mul3A_2, %dma_start3A_139] : memref<16384x64xf32, #tpu.memory_space<hbm>> -> memref<512x32xf32, #tpu.memory_space<hbm>>
    %dma_start3A_141 = arith.constant 32 : i32
    %dma_start3A_142 = tpu.memref_slice %arg6[%mul3A_2, %dma_start3A_141] : memref<16384x64xf32, #tpu.memory_space<hbm>> -> memref<512x32xf32, #tpu.memory_space<hbm>>
    %dma_start3A_143 = arith.constant 0 : i32
    %dma_start3A_144 = arith.constant 0 : i32
    %dma_start3A_145 = tpu.memref_slice %arg10[%dma_start3A_143, %dma_start3A_144] : memref<512x33xf32, #tpu.memory_space<vmem>> -> memref<512x32xf32, #tpu.memory_space<vmem>>
    tpu.enqueue_dma source(%dma_start3A_145 : memref<512x32xf32, #tpu.memory_space<vmem>>) target(%dma_start3A_142 : memref<512x32xf32, #tpu.memory_space<hbm>>) target_semaphore(%arg15 : memref<!tpu.dma_semaphore, #tpu.memory_space<semaphore_mem>>)
    %dma_wait3A_146 = arith.constant 0 : i32
    %dma_wait3A_147 = arith.constant 0 : i32
    %dma_wait3A_148 = arith.constant 0 : i32
    %dma_wait3A_149 = tpu.memref_slice %arg9[%dma_wait3A_147, %dma_wait3A_148] : memref<512x128xf32, #tpu.memory_space<vmem>> -> memref<128x128xf32, #tpu.memory_space<vmem>>
    %dma_wait3A_150 = arith.constant 0 : i32
    %dma_wait3A_151 = tpu.memref_slice %arg7[%dma_wait3A_150] : memref<512xi32, #tpu.memory_space<vmem>> -> memref<128xi32, #tpu.memory_space<vmem>>
    %dma_wait3A_152 = arith.constant 0 : i32
    %dma_wait3A_153 = arith.constant 0 : i32
    %dma_wait3A_154 = tpu.memref_slice %arg4[%dma_wait3A_152, %dma_wait3A_153] : memref<100001x128xf32, #tpu.memory_space<hbm>> -> memref<100001x128xf32, #tpu.memory_space<hbm>>
    %dma_wait3A_155 = tpu.memref_slice %arg14[%dma_wait3A_146] : memref<4x!tpu.dma_semaphore, #tpu.memory_space<semaphore_mem>> -> memref<1x!tpu.dma_semaphore, #tpu.memory_space<semaphore_mem>>
    %dma_wait3A_156 = tpu.memref_squeeze %dma_wait3A_155 : memref<1x!tpu.dma_semaphore, #tpu.memory_space<semaphore_mem>> -> memref<!tpu.dma_semaphore, #tpu.memory_space<semaphore_mem>>
    tpu.wait_indirect_dma semaphore(%dma_wait3A_156 : memref<!tpu.dma_semaphore, #tpu.memory_space<semaphore_mem>>) src(%dma_wait3A_154 : memref<100001x128xf32, #tpu.memory_space<hbm>>) dst(%dma_wait3A_149 : memref<128x128xf32, #tpu.memory_space<vmem>>)
    %add3A_157 = arith.constant 0 : i32
    %add3A_158 = arith.addi %mul3A_2, %add3A_157 : i32
    %dma_start3A_159 = arith.constant 0 : i32
    %dma_start3A_160 = arith.constant 0 : i32
    %dma_start3A_161 = tpu.memref_slice %arg9[%dma_start3A_159, %dma_start3A_160] : memref<512x128xf32, #tpu.memory_space<vmem>> -> memref<128x32xf32, #tpu.memory_space<vmem>>
    %dma_start3A_162 = arith.constant 0 : i32
    %dma_start3A_163 = tpu.memref_slice %arg6[%add3A_158, %dma_start3A_162] : memref<16384x64xf32, #tpu.memory_space<hbm>> -> memref<128x32xf32, #tpu.memory_space<hbm>>
    %dma_start3A_164 = arith.constant 0 : i32
    %dma_start3A_165 = tpu.memref_slice %arg6[%add3A_158, %dma_start3A_164] : memref<16384x64xf32, #tpu.memory_space<hbm>> -> memref<128x32xf32, #tpu.memory_space<hbm>>
    %dma_start3A_166 = arith.constant 0 : i32
    %dma_start3A_167 = arith.constant 0 : i32
    %dma_start3A_168 = tpu.memref_slice %arg9[%dma_start3A_166, %dma_start3A_167] : memref<512x128xf32, #tpu.memory_space<vmem>> -> memref<128x32xf32, #tpu.memory_space<vmem>>
    tpu.enqueue_dma source(%dma_start3A_168 : memref<128x32xf32, #tpu.memory_space<vmem>>) target(%dma_start3A_165 : memref<128x32xf32, #tpu.memory_space<hbm>>) target_semaphore(%arg15 : memref<!tpu.dma_semaphore, #tpu.memory_space<semaphore_mem>>)
    %dma_wait3A_169 = arith.constant 1 : i32
    %dma_wait3A_170 = arith.constant 128 : i32
    %dma_wait3A_171 = arith.constant 0 : i32
    %dma_wait3A_172 = tpu.memref_slice %arg9[%dma_wait3A_170, %dma_wait3A_171] : memref<512x128xf32, #tpu.memory_space<vmem>> -> memref<128x128xf32, #tpu.memory_space<vmem>>
    %dma_wait3A_173 = arith.constant 128 : i32
    %dma_wait3A_174 = tpu.memref_slice %arg7[%dma_wait3A_173] : memref<512xi32, #tpu.memory_space<vmem>> -> memref<128xi32, #tpu.memory_space<vmem>>
    %dma_wait3A_175 = arith.constant 0 : i32
    %dma_wait3A_176 = arith.constant 0 : i32
    %dma_wait3A_177 = tpu.memref_slice %arg4[%dma_wait3A_175, %dma_wait3A_176] : memref<100001x128xf32, #tpu.memory_space<hbm>> -> memref<100001x128xf32, #tpu.memory_space<hbm>>
    %dma_wait3A_178 = tpu.memref_slice %arg14[%dma_wait3A_169] : memref<4x!tpu.dma_semaphore, #tpu.memory_space<semaphore_mem>> -> memref<1x!tpu.dma_semaphore, #tpu.memory_space<semaphore_mem>>
    %dma_wait3A_179 = tpu.memref_squeeze %dma_wait3A_178 : memref<1x!tpu.dma_semaphore, #tpu.memory_space<semaphore_mem>> -> memref<!tpu.dma_semaphore, #tpu.memory_space<semaphore_mem>>
    tpu.wait_indirect_dma semaphore(%dma_wait3A_179 : memref<!tpu.dma_semaphore, #tpu.memory_space<semaphore_mem>>) src(%dma_wait3A_177 : memref<100001x128xf32, #tpu.memory_space<hbm>>) dst(%dma_wait3A_172 : memref<128x128xf32, #tpu.memory_space<vmem>>)
    %add3A_180 = arith.constant 128 : i32
    %add3A_181 = arith.addi %mul3A_2, %add3A_180 : i32
    %dma_start3A_182 = arith.constant 128 : i32
    %dma_start3A_183 = arith.constant 0 : i32
    %dma_start3A_184 = tpu.memref_slice %arg9[%dma_start3A_182, %dma_start3A_183] : memref<512x128xf32, #tpu.memory_space<vmem>> -> memref<128x32xf32, #tpu.memory_space<vmem>>
    %dma_start3A_185 = arith.constant 0 : i32
    %dma_start3A_186 = tpu.memref_slice %arg6[%add3A_181, %dma_start3A_185] : memref<16384x64xf32, #tpu.memory_space<hbm>> -> memref<128x32xf32, #tpu.memory_space<hbm>>
    %dma_start3A_187 = arith.constant 0 : i32
    %dma_start3A_188 = tpu.memref_slice %arg6[%add3A_181, %dma_start3A_187] : memref<16384x64xf32, #tpu.memory_space<hbm>> -> memref<128x32xf32, #tpu.memory_space<hbm>>
    %dma_start3A_189 = arith.constant 128 : i32
    %dma_start3A_190 = arith.constant 0 : i32
    %dma_start3A_191 = tpu.memref_slice %arg9[%dma_start3A_189, %dma_start3A_190] : memref<512x128xf32, #tpu.memory_space<vmem>> -> memref<128x32xf32, #tpu.memory_space<vmem>>
    tpu.enqueue_dma source(%dma_start3A_191 : memref<128x32xf32, #tpu.memory_space<vmem>>) target(%dma_start3A_188 : memref<128x32xf32, #tpu.memory_space<hbm>>) target_semaphore(%arg15 : memref<!tpu.dma_semaphore, #tpu.memory_space<semaphore_mem>>)
    %dma_wait3A_192 = arith.constant 2 : i32
    %dma_wait3A_193 = arith.constant 256 : i32
    %dma_wait3A_194 = arith.constant 0 : i32
    %dma_wait3A_195 = tpu.memref_slice %arg9[%dma_wait3A_193, %dma_wait3A_194] : memref<512x128xf32, #tpu.memory_space<vmem>> -> memref<128x128xf32, #tpu.memory_space<vmem>>
    %dma_wait3A_196 = arith.constant 256 : i32
    %dma_wait3A_197 = tpu.memref_slice %arg7[%dma_wait3A_196] : memref<512xi32, #tpu.memory_space<vmem>> -> memref<128xi32, #tpu.memory_space<vmem>>
    %dma_wait3A_198 = arith.constant 0 : i32
    %dma_wait3A_199 = arith.constant 0 : i32
    %dma_wait3A_200 = tpu.memref_slice %arg4[%dma_wait3A_198, %dma_wait3A_199] : memref<100001x128xf32, #tpu.memory_space<hbm>> -> memref<100001x128xf32, #tpu.memory_space<hbm>>
    %dma_wait3A_201 = tpu.memref_slice %arg14[%dma_wait3A_192] : memref<4x!tpu.dma_semaphore, #tpu.memory_space<semaphore_mem>> -> memref<1x!tpu.dma_semaphore, #tpu.memory_space<semaphore_mem>>
    %dma_wait3A_202 = tpu.memref_squeeze %dma_wait3A_201 : memref<1x!tpu.dma_semaphore, #tpu.memory_space<semaphore_mem>> -> memref<!tpu.dma_semaphore, #tpu.memory_space<semaphore_mem>>
    tpu.wait_indirect_dma semaphore(%dma_wait3A_202 : memref<!tpu.dma_semaphore, #tpu.memory_space<semaphore_mem>>) src(%dma_wait3A_200 : memref<100001x128xf32, #tpu.memory_space<hbm>>) dst(%dma_wait3A_195 : memref<128x128xf32, #tpu.memory_space<vmem>>)
    %add3A_203 = arith.constant 256 : i32
    %add3A_204 = arith.addi %mul3A_2, %add3A_203 : i32
    %dma_start3A_205 = arith.constant 256 : i32
    %dma_start3A_206 = arith.constant 0 : i32
    %dma_start3A_207 = tpu.memref_slice %arg9[%dma_start3A_205, %dma_start3A_206] : memref<512x128xf32, #tpu.memory_space<vmem>> -> memref<128x32xf32, #tpu.memory_space<vmem>>
    %dma_start3A_208 = arith.constant 0 : i32
    %dma_start3A_209 = tpu.memref_slice %arg6[%add3A_204, %dma_start3A_208] : memref<16384x64xf32, #tpu.memory_space<hbm>> -> memref<128x32xf32, #tpu.memory_space<hbm>>
    %dma_start3A_210 = arith.constant 0 : i32
    %dma_start3A_211 = tpu.memref_slice %arg6[%add3A_204, %dma_start3A_210] : memref<16384x64xf32, #tpu.memory_space<hbm>> -> memref<128x32xf32, #tpu.memory_space<hbm>>
    %dma_start3A_212 = arith.constant 256 : i32
    %dma_start3A_213 = arith.constant 0 : i32
    %dma_start3A_214 = tpu.memref_slice %arg9[%dma_start3A_212, %dma_start3A_213] : memref<512x128xf32, #tpu.memory_space<vmem>> -> memref<128x32xf32, #tpu.memory_space<vmem>>
    tpu.enqueue_dma source(%dma_start3A_214 : memref<128x32xf32, #tpu.memory_space<vmem>>) target(%dma_start3A_211 : memref<128x32xf32, #tpu.memory_space<hbm>>) target_semaphore(%arg15 : memref<!tpu.dma_semaphore, #tpu.memory_space<semaphore_mem>>)
    %dma_wait3A_215 = arith.constant 3 : i32
    %dma_wait3A_216 = arith.constant 384 : i32
    %dma_wait3A_217 = arith.constant 0 : i32
    %dma_wait3A_218 = tpu.memref_slice %arg9[%dma_wait3A_216, %dma_wait3A_217] : memref<512x128xf32, #tpu.memory_space<vmem>> -> memref<128x128xf32, #tpu.memory_space<vmem>>
    %dma_wait3A_219 = arith.constant 384 : i32
    %dma_wait3A_220 = tpu.memref_slice %arg7[%dma_wait3A_219] : memref<512xi32, #tpu.memory_space<vmem>> -> memref<128xi32, #tpu.memory_space<vmem>>
    %dma_wait3A_221 = arith.constant 0 : i32
    %dma_wait3A_222 = arith.constant 0 : i32
    %dma_wait3A_223 = tpu.memref_slice %arg4[%dma_wait3A_221, %dma_wait3A_222] : memref<100001x128xf32, #tpu.memory_space<hbm>> -> memref<100001x128xf32, #tpu.memory_space<hbm>>
    %dma_wait3A_224 = tpu.memref_slice %arg14[%dma_wait3A_215] : memref<4x!tpu.dma_semaphore, #tpu.memory_space<semaphore_mem>> -> memref<1x!tpu.dma_semaphore, #tpu.memory_space<semaphore_mem>>
    %dma_wait3A_225 = tpu.memref_squeeze %dma_wait3A_224 : memref<1x!tpu.dma_semaphore, #tpu.memory_space<semaphore_mem>> -> memref<!tpu.dma_semaphore, #tpu.memory_space<semaphore_mem>>
    tpu.wait_indirect_dma semaphore(%dma_wait3A_225 : memref<!tpu.dma_semaphore, #tpu.memory_space<semaphore_mem>>) src(%dma_wait3A_223 : memref<100001x128xf32, #tpu.memory_space<hbm>>) dst(%dma_wait3A_218 : memref<128x128xf32, #tpu.memory_space<vmem>>)
    %add3A_226 = arith.constant 384 : i32
    %add3A_227 = arith.addi %mul3A_2, %add3A_226 : i32
    %dma_start3A_228 = arith.constant 384 : i32
    %dma_start3A_229 = arith.constant 0 : i32
    %dma_start3A_230 = tpu.memref_slice %arg9[%dma_start3A_228, %dma_start3A_229] : memref<512x128xf32, #tpu.memory_space<vmem>> -> memref<128x32xf32, #tpu.memory_space<vmem>>
    %dma_start3A_231 = arith.constant 0 : i32
    %dma_start3A_232 = tpu.memref_slice %arg6[%add3A_227, %dma_start3A_231] : memref<16384x64xf32, #tpu.memory_space<hbm>> -> memref<128x32xf32, #tpu.memory_space<hbm>>
    %dma_start3A_233 = arith.constant 0 : i32
    %dma_start3A_234 = tpu.memref_slice %arg6[%add3A_227, %dma_start3A_233] : memref<16384x64xf32, #tpu.memory_space<hbm>> -> memref<128x32xf32, #tpu.memory_space<hbm>>
    %dma_start3A_235 = arith.constant 384 : i32
    %dma_start3A_236 = arith.constant 0 : i32
    %dma_start3A_237 = tpu.memref_slice %arg9[%dma_start3A_235, %dma_start3A_236] : memref<512x128xf32, #tpu.memory_space<vmem>> -> memref<128x32xf32, #tpu.memory_space<vmem>>
    tpu.enqueue_dma source(%dma_start3A_237 : memref<128x32xf32, #tpu.memory_space<vmem>>) target(%dma_start3A_234 : memref<128x32xf32, #tpu.memory_space<hbm>>) target_semaphore(%arg15 : memref<!tpu.dma_semaphore, #tpu.memory_space<semaphore_mem>>)
    %dma_wait3A_238 = arith.constant 0 : i32
    %dma_wait3A_239 = arith.constant 0 : i32
    %dma_wait3A_240 = tpu.memref_slice %arg10[%dma_wait3A_238, %dma_wait3A_239] : memref<512x33xf32, #tpu.memory_space<vmem>> -> memref<512x32xf32, #tpu.memory_space<vmem>>
    %dma_wait3A_241 = arith.constant 32 : i32
    %dma_wait3A_242 = tpu.memref_slice %arg6[%mul3A_2, %dma_wait3A_241] : memref<16384x64xf32, #tpu.memory_space<hbm>> -> memref<512x32xf32, #tpu.memory_space<hbm>>
    %dma_wait3A_243 = arith.constant 32 : i32
    %dma_wait3A_244 = tpu.memref_slice %arg6[%mul3A_2, %dma_wait3A_243] : memref<16384x64xf32, #tpu.memory_space<hbm>> -> memref<512x32xf32, #tpu.memory_space<hbm>>
    %dma_wait3A_245 = arith.constant 0 : i32
    %dma_wait3A_246 = arith.constant 0 : i32
    %dma_wait3A_247 = tpu.memref_slice %arg10[%dma_wait3A_245, %dma_wait3A_246] : memref<512x33xf32, #tpu.memory_space<vmem>> -> memref<512x32xf32, #tpu.memory_space<vmem>>
    tpu.wait_dma2 semaphore(%arg15 : memref<!tpu.dma_semaphore, #tpu.memory_space<semaphore_mem>>) src(%dma_wait3A_247 : memref<512x32xf32, #tpu.memory_space<vmem>>) dst(%dma_wait3A_244 : memref<512x32xf32, #tpu.memory_space<hbm>>)
    %dma_wait3A_248 = arith.constant 0 : i32
    %dma_wait3A_249 = arith.constant 0 : i32
    %dma_wait3A_250 = tpu.memref_slice %arg9[%dma_wait3A_248, %dma_wait3A_249] : memref<512x128xf32, #tpu.memory_space<vmem>> -> memref<128x32xf32, #tpu.memory_space<vmem>>
    %dma_wait3A_251 = arith.constant 0 : i32
    %dma_wait3A_252 = tpu.memref_slice %arg6[%add3A_158, %dma_wait3A_251] : memref<16384x64xf32, #tpu.memory_space<hbm>> -> memref<128x32xf32, #tpu.memory_space<hbm>>
    %dma_wait3A_253 = arith.constant 0 : i32
    %dma_wait3A_254 = tpu.memref_slice %arg6[%add3A_158, %dma_wait3A_253] : memref<16384x64xf32, #tpu.memory_space<hbm>> -> memref<128x32xf32, #tpu.memory_space<hbm>>
    %dma_wait3A_255 = arith.constant 0 : i32
    %dma_wait3A_256 = arith.constant 0 : i32
    %dma_wait3A_257 = tpu.memref_slice %arg9[%dma_wait3A_255, %dma_wait3A_256] : memref<512x128xf32, #tpu.memory_space<vmem>> -> memref<128x32xf32, #tpu.memory_space<vmem>>
    tpu.wait_dma2 semaphore(%arg15 : memref<!tpu.dma_semaphore, #tpu.memory_space<semaphore_mem>>) src(%dma_wait3A_257 : memref<128x32xf32, #tpu.memory_space<vmem>>) dst(%dma_wait3A_254 : memref<128x32xf32, #tpu.memory_space<hbm>>)
    %dma_wait3A_258 = arith.constant 128 : i32
    %dma_wait3A_259 = arith.constant 0 : i32
    %dma_wait3A_260 = tpu.memref_slice %arg9[%dma_wait3A_258, %dma_wait3A_259] : memref<512x128xf32, #tpu.memory_space<vmem>> -> memref<128x32xf32, #tpu.memory_space<vmem>>
    %dma_wait3A_261 = arith.constant 0 : i32
    %dma_wait3A_262 = tpu.memref_slice %arg6[%add3A_181, %dma_wait3A_261] : memref<16384x64xf32, #tpu.memory_space<hbm>> -> memref<128x32xf32, #tpu.memory_space<hbm>>
    %dma_wait3A_263 = arith.constant 0 : i32
    %dma_wait3A_264 = tpu.memref_slice %arg6[%add3A_181, %dma_wait3A_263] : memref<16384x64xf32, #tpu.memory_space<hbm>> -> memref<128x32xf32, #tpu.memory_space<hbm>>
    %dma_wait3A_265 = arith.constant 128 : i32
    %dma_wait3A_266 = arith.constant 0 : i32
    %dma_wait3A_267 = tpu.memref_slice %arg9[%dma_wait3A_265, %dma_wait3A_266] : memref<512x128xf32, #tpu.memory_space<vmem>> -> memref<128x32xf32, #tpu.memory_space<vmem>>
    tpu.wait_dma2 semaphore(%arg15 : memref<!tpu.dma_semaphore, #tpu.memory_space<semaphore_mem>>) src(%dma_wait3A_267 : memref<128x32xf32, #tpu.memory_space<vmem>>) dst(%dma_wait3A_264 : memref<128x32xf32, #tpu.memory_space<hbm>>)
    %dma_wait3A_268 = arith.constant 256 : i32
    %dma_wait3A_269 = arith.constant 0 : i32
    %dma_wait3A_270 = tpu.memref_slice %arg9[%dma_wait3A_268, %dma_wait3A_269] : memref<512x128xf32, #tpu.memory_space<vmem>> -> memref<128x32xf32, #tpu.memory_space<vmem>>
    %dma_wait3A_271 = arith.constant 0 : i32
    %dma_wait3A_272 = tpu.memref_slice %arg6[%add3A_204, %dma_wait3A_271] : memref<16384x64xf32, #tpu.memory_space<hbm>> -> memref<128x32xf32, #tpu.memory_space<hbm>>
    %dma_wait3A_273 = arith.constant 0 : i32
    %dma_wait3A_274 = tpu.memref_slice %arg6[%add3A_204, %dma_wait3A_273] : memref<16384x64xf32, #tpu.memory_space<hbm>> -> memref<128x32xf32, #tpu.memory_space<hbm>>
    %dma_wait3A_275 = arith.constant 256 : i32
    %dma_wait3A_276 = arith.constant 0 : i32
    %dma_wait3A_277 = tpu.memref_slice %arg9[%dma_wait3A_275, %dma_wait3A_276] : memref<512x128xf32, #tpu.memory_space<vmem>> -> memref<128x32xf32, #tpu.memory_space<vmem>>
    tpu.wait_dma2 semaphore(%arg15 : memref<!tpu.dma_semaphore, #tpu.memory_space<semaphore_mem>>) src(%dma_wait3A_277 : memref<128x32xf32, #tpu.memory_space<vmem>>) dst(%dma_wait3A_274 : memref<128x32xf32, #tpu.memory_space<hbm>>)
    %dma_wait3A_278 = arith.constant 384 : i32
    %dma_wait3A_279 = arith.constant 0 : i32
    %dma_wait3A_280 = tpu.memref_slice %arg9[%dma_wait3A_278, %dma_wait3A_279] : memref<512x128xf32, #tpu.memory_space<vmem>> -> memref<128x32xf32, #tpu.memory_space<vmem>>
    %dma_wait3A_281 = arith.constant 0 : i32
    %dma_wait3A_282 = tpu.memref_slice %arg6[%add3A_227, %dma_wait3A_281] : memref<16384x64xf32, #tpu.memory_space<hbm>> -> memref<128x32xf32, #tpu.memory_space<hbm>>
    %dma_wait3A_283 = arith.constant 0 : i32
    %dma_wait3A_284 = tpu.memref_slice %arg6[%add3A_227, %dma_wait3A_283] : memref<16384x64xf32, #tpu.memory_space<hbm>> -> memref<128x32xf32, #tpu.memory_space<hbm>>
    %dma_wait3A_285 = arith.constant 384 : i32
    %dma_wait3A_286 = arith.constant 0 : i32
    %dma_wait3A_287 = tpu.memref_slice %arg9[%dma_wait3A_285, %dma_wait3A_286] : memref<512x128xf32, #tpu.memory_space<vmem>> -> memref<128x32xf32, #tpu.memory_space<vmem>>
    tpu.wait_dma2 semaphore(%arg15 : memref<!tpu.dma_semaphore, #tpu.memory_space<semaphore_mem>>) src(%dma_wait3A_287 : memref<128x32xf32, #tpu.memory_space<vmem>>) dst(%dma_wait3A_284 : memref<128x32xf32, #tpu.memory_space<hbm>>)
    return
  }
}

</mosaic_0001>

<sc_bundles>
// kernel: kernel.3.cloned.1.call-start
scs
__scs_entry_jumppad:
0x0: {  	(pc) =	sbr.rel $0x88, $3  }
0x1: {  	(tag) =	ssettag $0x0;
	lr =	simm.s32 $0x1  }
0x2: {  	[smem:$0x3F9D] =	sst lr;
	_ =	strace $0xD0000000  }
0x3: {  	_ = 	snop  }
0x4: {  	_ = 	snop  }
0x5: {  	_ = 	snop  }
0x6: {  	_ = 	snop  }
0x7: {  	_ = 	snop  }
__scs_overlays_trampoline_lowered:
0x8: {  	[smem:$0x3FAC] =	sst s0  }
0x9: {  	[smem:$0x3FAD] =	sst s1  }
0xa: {  	[smem:$0x3FAE] =	sst s2  }
0xb: {  	[smem:$0x3FAF] =	sst s3  }
0xc: {  	[smem:$0x3FB0] =	sst s4  }
0xd: {  	[smem:$0x3FB1] =	sst s5  }
0xe: {  	[smem:$0x3FB2] =	sst s6  }
0xf: {  	[smem:$0x3FB3] =	sst s7  }
0x10: {  	[smem:$0x3FB4] =	sst s8  }
0x11: {  	[smem:$0x3FB5] =	sst s9;
	s0 =	simm.s32 @!p0 $0x0  }
0x12: {  	s1 =	sld [smem:$0x3F9B];
	s0 =	simm.s32 @p0 $0x1  }
0x13: {  	[smem:$0x3FB6] =	sst s0;
	s0 =	simm.s32 @!p1 $0x0  }
0x14: {  	s2 =	sld [smem:$0x3F9A];
	s0 =	simm.s32 @p1 $0x1  }
0x15: {  	[smem:$0x3FB7] =	sst s0;
	s0 =	simm.s32 @!p2 $0x0  }
0x16: {  	s3 =	sld [smem:$0x3FDB];
	s0 =	simm.s32 @p2 $0x1  }
0x17: {  	s4 =	simm.s32 $0x1BF5;
	[smem:$0x3FB9] =	sst s0  }
0x18: {  	s0 =	sld [smem:$0x3F9C];
	_ =	swait.ge [sflag:s4], $0x0  }
0x19: {  	s7 =	sld [smem:$0x3F9D]  }
0x1a: {  	s8 =	sadd.s32 $0xFFFFE003, lr  }
0x1b: {  	s9 =	sadd.s32 $0xFFFFFEF7, lr;
	s5 =	simm.s32 $0xFFFFFFFF;
	p2 =	slt.u32 s8, $0xFFFFF086  }
0x1c: {  	p1 =	slt.u32 s9, $0xF7A;
	s5 =	simm.s32 @!p2 $0x0  }
0x1d: {  	s5 =	simm.s32 @p1 $0x1;
	p0 =	seq.s32 s7, s2  }
0x1e: {  	s7 =	smul.u32 @!p0 $0xF7A, s2;
	p2 =	seq.s32 @!p0 s5, $0x0  }
0x1f: {  	s9 =	smul.u32 $0xF7A, s1;
	s8 =	simm.s32 @!p0 $0x1BF5;
	p2 =	por !p2, p0  }
0x20: {  	[sflag:s8] =	ssyncset.s32 @!p0 $0xFFFFF086;
	s6 =	sadd.s32 @!p0 s3, s7;
	s7 =	simm.s32 @!p0 $0x108  }
0x21: {  	s3 =	sadd.s32 s3, s9;
	s6 =	sadd.s32 @!p0 $0x88, s6;
	s7 =	simm.s32 @p2 $0x1082  }
0x22: {  	[simem:s7], [sflag:s8] =	dma.local @!p0 [hbm:s6], $0xF7A  }
0x23: {  	s9 =	sor.u32 $0xD0000000, s2;
	s6 =	simm.s32 $0x108;
	_ =	swait.ge @!p0 [sflag:s8], $0x0  }
0x24: {  	s3 =	sadd.s32 $0x88, s3;
	s6 =	simm.s32 @!p1 $0x1082;
	[sflag:s4] =	ssyncset.s32 $0xFFFFF086  }
0x25: {  	[simem:s6], [sflag:s4] =	dma.local [hbm:s3], $0xF7A  }
0x26: {  	[smem:$0x3F9D] =	sst s1;
	(tag) =	ssettag s2;
	_ =	strace s9  }
0x27: {  	s1 =	sld [smem:$0x3FAD]  }
0x28: {  	s2 =	sld [smem:$0x3FAE]  }
0x29: {  	s4 =	sld [smem:$0x3FB0]  }
0x2a: {  	p0 =	seq.s32 s5, $0x0;
	s5 =	sld [smem:$0x3FB1]  }
0x2b: {  	s6 =	sld [smem:$0x3FB2]  }
0x2c: {  	s7 =	sld [smem:$0x3FB3]  }
0x2d: {  	s3 =	simm.s32 $0x108;
	s8 =	sld [smem:$0x3FB4]  }
0x2e: {  	s3 =	simm.s32 @!p0 $0x1082;
	s9 =	sld [smem:$0x3FB5]  }
0x2f: {  	lr =	sadd.s32 s0, s3;
	s0 =	sld [smem:$0x3FAC]  }
0x30: {  	s3 =	sld [smem:$0x3FAF]  }
0x31: {  	[smem:$0x3FB8] =	sst s10  }
0x32: {  	s10 =	sld [smem:$0x3FB6];
	_ =	sdelay $0x3  }
0x33: {  	p0 =	seq.s32 s10, $0x1;
	s10 =	sld [smem:$0x3FB8];
	_ =	sdelay $0x3  }
0x34: {  	[smem:$0x3FB8] =	sst s10  }
0x35: {  	s10 =	sld [smem:$0x3FB7];
	_ =	sdelay $0x3  }
0x36: {  	p1 =	seq.s32 s10, $0x1;
	s10 =	sld [smem:$0x3FB8];
	_ =	sdelay $0x3  }
0x37: {  	[smem:$0x3FB8] =	sst s10  }
0x38: {  	s10 =	sld [smem:$0x3FB9]  }
0x39: {  	_ = 	snop;
	(pc) =	sbr.ind lr, $3  }
0x3a: {  	_ = 	snop  }
0x3b: {  	_ = 	snop  }
0x3c: {  	p2 =	seq.s32 s10, $0x1;
	s10 =	sld [smem:$0x3FB8]  }
0x3d: {  	_ =	shalt  }
0x3e: {  	_ =	shalt  }
0x3f: {  	_ =	shalt  }
0x40: {  	_ =	shalt  }
0x41: {  	_ =	shalt  }
0x42: {  	_ =	shalt  }
0x43: {  	_ =	shalt  }
0x44: {  	_ =	shalt  }
0x45: {  	_ =	shalt  }
0x46: {  	_ =	shalt  }
0x47: {  	_ =	shalt  }
0x48: {  	_ =	shalt  }
0x49: {  	_ =	shalt  }
0x4a: {  	_ =	shalt  }
0x4b: {  	_ =	shalt  }
0x4c: {  	_ =	shalt  }
0x4d: {  	_ =	shalt  }
0x4e: {  	_ =	shalt  }
0x4f: {  	_ =	shalt  }
0x50: {  	_ =	shalt  }
0x51: {  	_ =	shalt  }
0x52: {  	_ =	shalt  }
0x53: {  	_ =	shalt  }
0x54: {  	_ =	shalt  }
0x55: {  	_ =	shalt  }
0x56: {  	_ =	shalt  }
0x57: {  	_ =	shalt  }
0x58: {  	_ =	shalt  }
0x59: {  	_ =	shalt  }
0x5a: {  	_ =	shalt  }
0x5b: {  	_ =	shalt  }
0x5c: {  	_ =	shalt  }
0x5d: {  	_ =	shalt  }
0x5e: {  	_ =	shalt  }
0x5f: {  	_ =	shalt  }
0x60: {  	_ =	shalt  }
0x61: {  	_ =	shalt  }
0x62: {  	_ =	shalt  }
0x63: {  	_ =	shalt  }
0x64: {  	_ =	shalt  }
0x65: {  	_ =	shalt  }
0x66: {  	_ =	shalt  }
0x67: {  	_ =	shalt  }
0x68: {  	_ =	shalt  }
0x69: {  	_ =	shalt  }
0x6a: {  	_ =	shalt  }
0x6b: {  	_ =	shalt  }
0x6c: {  	_ =	shalt  }
0x6d: {  	_ =	shalt  }
0x6e: {  	_ =	shalt  }
0x6f: {  	_ =	shalt  }
0x70: {  	_ =	shalt  }
0x71: {  	_ =	shalt  }
0x72: {  	_ =	shalt  }
0x73: {  	_ =	shalt  }
0x74: {  	_ =	shalt  }
0x75: {  	_ =	shalt  }
0x76: {  	_ =	shalt  }
0x77: {  	_ =	shalt  }
0x78: {  	_ =	shalt  }
0x79: {  	_ =	shalt  }
0x7a: {  	_ =	shalt  }
0x7b: {  	_ =	shalt  }
0x7c: {  	_ =	shalt  }
0x7d: {  	_ =	shalt  }
0x7e: {  	_ =	shalt  }
0x7f: {  	_ =	shalt  }
0x80: {  	_ =	shalt  }
0x81: {  	_ =	shalt  }
0x82: {  	_ =	shalt  }
0x83: {  	_ =	shalt  }
0x84: {  	_ =	shalt  }
0x85: {  	_ =	shalt  }
0x86: {  	_ =	shalt  }
0x87: {  	_ =	shalt  }
.Lfunc_end0:
.L_simem_size_0:
called_computation_lowered:
.L_overlay_start_0:
0x88: {  	s2 =	sld [smem:$0x3FD9]  }
0x89: {  	s3 =	sld [smem:$0x3FFE];
	_ =	sdelay $0x1  }
0x8a: {  	s1 =	srdreg.scid  }
0x8b: {  	s0 =	sand.u32 $0x1, s1  }
0x8c: {  	s17 =	sshll.u32 s0, $0xA;
	s2 =	sadd.s32 s3, s2  }
0x8d: {  	s2 =	sadd.s32 s2, s17  }
0x8e: {  	[smem:$0x3FC4] =	sst s2  }
0x8f: {  	_ = 	snop  }
0x90: {  	s2 =	sld [smem:$0x3FC9]  }
0x91: {  	s18 =	sld [smem:$0x3FC8]  }
0x92: {  	s4 =	sld [smem:$0x3FD0];
	(tm) =	ssettm $0x1  }
0x93: {  	s5 =	sld [smem:$0x3FFB];
	_ =	sdelay $0x3  }
0x94: {  	_ =	strace s5  }
0x95: {  	s5 =	sld [smem:$0x3FFC];
	_ =	sdelay $0x3  }
0x96: {  	_ =	strace s5  }
0x97: {  	s5 =	sld [smem:$0x3FFD];
	_ =	sdelay $0x3  }
0x98: {  	_ =	strace s5  }
0x99: {  	_ =	strace $0x8FFFFFFF  }
0x9a: {  	s19 =	sld [smem:$0x3FDB];
	_ =	sdelay $0x1  }
0x9b: {  	s6 =	simm.s32 $_scs_section_size  }
0x9c: {  	s7 =	simm.s32 $_size__tile_overlayer_lowered;
	s8 =	simm.s32 $_tile_overlayer_lowered  }
0x9d: {  	s22 =	simm.s32 $0x1BFF;
	s21 =	sshll.u32 s8, $0x1;
	s5 =	sadd.s32 s6, s19  }
0x9e: {  	s9 =	simm.s32 $0x0;
	s20 =	sshll.u32 s7, $0x1;
	s7 =	sadd.s32 s21, s5  }
0x9f: {  	[timem:s9], [sflag:s22] =	dma.local [hbm:s7], s20  }
0xa0: {  	_ =	swait.ge [sflag:s22], s20  }
0xa1: {  	s6 =	ssub.s32 $0x0, s20;
	[sflag:s22] =	ssyncset.done $0x0  }
0xa2: {  	[sflag:s22] =	ssyncadd.s32 s6;
	_ =	sdelay $0x1  }
0xa3: {  	s23 =	simm.s32 $0x1B8B  }
0xa4: {  	_ =	swait.ge [sflag:s23], $0x1  }
0xa5: {  	[sflag:s23] =	ssyncset.done $0x0  }
0xa6: {  	s25 =	simm.s32 $0x1B8E;
	s24 =	sld [smem:$0x3FFE];
	[sflag:s23] =	ssyncadd.s32 $0xFFFFFFFF  }
0xa7: {  	s26 =	simm.s32 $execute0_lowered;
	[smem:$0x3FD2] =	sst s25  }
0xa8: {  	s7 =	sshll.u32 s26, $0x1;
	_ =	strace $0x80000046;
	[dreg:$0x1] =	wrdreg $0xFFFFFFFF  }
0xa9: {  	s28 =	simm.s32 $_size_execute0_lowered;
	s5 =	sadd.s32 s5, s7;
	[dreg:$0x0] =	wrdreg $0x0  }
0xaa: {  	s7 =	sshll.u32 s28, $0x1;
	[dreg:$0x2] =	wrdreg s5  }
0xab: {  	[dreg:$0x3] =	wrdreg s7  }
0xac: {  	[dreg:$0x4] =	wrdreg $0xC0  }
0xad: {  	_ =	task [dreg:s9], $0x5FFFF  }
0xae: {  	[dreg:$0x1] =	wrdreg $0xFFFFFFFF  }
0xaf: {  	[dreg:$0x0] =	wrdreg $0x60  }
0xb0: {  	[dreg:$0x2] =	wrdreg s2  }
0xb1: {  	[dreg:$0x3] =	wrdreg s18  }
0xb2: {  	[dreg:$0x4] =	wrdreg s24  }
0xb3: {  	[dreg:$0x5] =	wrdreg s4  }
0xb4: {  	[dreg:$0x6] =	wrdreg $0x9  }
0xb5: {  	_ =	task.clear_ibuf [dreg:s9], $0x7FFFF;
	_ =	strace $0x90000046  }
0xb6: {  	s29 =	simm.s32 $0x9;
	_ =	strace $0x80000048  }
0xb7: {  	_ =	swait.ge [sflag:s29], $0x1  }
0xb8: {  	[sflag:s29] =	ssyncadd.s32 $0xFFFFFFFF  }
0xb9: {  	_ =	strace $0x90000048  }
0xba: {  	_ =	sfence  }
0xbb: {  	s30 =	sld [smem:$0x0];
	_ =	sdelay $0x2  }
0xbc: {  	s31 =	sshll.u32 s1, $0xD;
	s1 =	sshrl.u32 s1, $0x2  }
0xbd: {  	s3 =	sand.u32 $0x4000, s31;
	s1 =	sadd.s32 s1, s30  }
0xbe: {  	s0 =	sor.u32 s3, s0;
	s1 =	sshll.u32 s1, $0x11  }
0xbf: {  	s0 =	sor.u32 s1, s0  }
0xc0: {  	s0 =	sadd.s32 $0x8F2B, s0  }
0xc1: {  	[sflag:s0] =	ssyncadd.remote.s32 $0x1  }
0xc2: {  	_ =	sfence.sel $0xFFFF  }
0xc3: {  	[dreg:$0x0] =	wrdreg $0xFFFFFFFF;
	(pc) =	sbr.abs _section_cstart, $3  }
0xc4: {  	[dreg:$0x1] =	wrdreg $0xFFFFFFFF  }
0xc5: {  	_ =	task.clear_ibuf [dreg:s9], $0x2FFFF;
	_ =	strace $0x9FFFFFFF  }
0xc6: {  	(tm) =	ssettm $0x7FFFFFFF  }
0xc7: {  	_ =	shalt  }
tec
execute0_lowered:
.L_overlay_start_1:
0x0: {  	(tag) =	ssettag $0x1  }
0x1: {  	s0 =	rddreg [dreg:$0x0]  }
0x2: {  	s1 =	rddreg [dreg:$0x1]  }
0x3: {  	s4 =	rddreg [dreg:$0x2]  }
0x4: {  	s6 =	rddreg [dreg:$0x3];
	s2 =	simm.s32 $0x0  }
0x5: {  	s3 =	srdreg.scid;
	s7 =	stileid.u32;
	s13 =	simm.s32 $0x200  }
0x6: {  	s15 =	simm.s32 $0x1;
	s16 =	simm.s32 $0x80;
	s18 =	simm.s32 $0x4400  }
0x7: {  	s19 =	simm.s32 $0x100;
	s20 =	simm.s32 $0x8400;
	s21 =	simm.s32 $0x180  }
0x8: {  	s22 =	simm.s32 $0xC400;
	s23 =	simm.s32 $0x154A0;
	s24 =	simm.s32 $0x10400  }
0x9: {  	s25 =	simm.s32 $0x2;
	s28 =	simm.s32 $0x4;
	s29 =	simm.s32 $0x5  }
0xa: {  	s30 =	simm.s32 $0x6;
	s31 =	simm.s32 $0x0;
	[smem:$0x7FF] =	sst s2  }
0xb: {  	s5 =	sand.u32 $0x1, s3;
	s3 =	sadd.s32 $0x187400, s4;
	s7 =	sshll.u32 s7, $0xA  }
0xc: {  	s4 =	sadd.s32 $0x187200, s4;
	s8 =	sshll.u32 s5, $0x9;
	s5 =	ssub.s32 $0x2, s5  }
0xd: {  	_ =	strace $0x80000047;
	s7 =	sor.u32 s8, s7;
	s26 =	sshrl.u32 s5, $0x1  }
0xe: {  	s9 =	sshrl.u32 s7, $0x3;
	s7 =	sshll.u32 s7, $0x3;
	s12 =	ssub.s32 s5, s26  }
0xf: {  	s26 =	simm.s32 $0x3;
	s5 =	sadd.s32 s0, s9;
	s6 =	sadd.s32 s6, s7  }
0x10: {  	v0 =	vlaneseq.u32;
	s7 =	sadd.s32 s1, s9;
	s12 =	smax.u32 s12, $0x1;
	s8 =	sadd.s32 $0x4, s6  }
0x11: {  	v1 =	vor.u32 $0xFFFFFFF8, v0;
	s9 =	sadd.s32 $0x400, s6;
	s10 =	sadd.s32 $0x800, s6;
	s11 =	sadd.s32 $0xC00, s6  }
.LBB2_1:
0x12: {  	[tilespmem:s2], [sflag:$0x1] =	stream.linear.gather [hbm4b:s5+s2], $0x200, $0x38;
	[tilespmem:$0x15568] =	vst v63  }
0x13: {  	_ = 	snop  }
0x14: {  	[tilespmem:s13], [sflag:$0x1] =	stream.linear.gather [hbm4b:s7+s2], $0x200, $0x38;
	[tilespmem:$0x15568] =	vst v63  }
0x15: {  	s0 =	simm.s32 $0x15400  }
0x16: {  	[tilespmem:s0], [sflag:$0x1] =	stream.linear.gather [hbm4b:s4+s2], $0xA0, $0x38;
	[tilespmem:$0x15568] =	vst v63  }
0x17: {  	_ =	swait.ge [sflag:s15], $0x200  }
0x18: {  	[sflag:s15] =	ssyncset.done $0x0  }
0x19: {  	[sflag:s15] =	ssyncadd.s32 $0xFFFFFE00  }
0x1a: {  	_ =	swait.ge [sflag:s15], $0x200  }
0x1b: {  	[sflag:s15] =	ssyncset.done $0x0  }
0x1c: {  	[sflag:s15] =	ssyncadd.s32 $0xFFFFFE00  }
0x1d: {  	_ =	swait.ge [sflag:s15], $0xA0  }
0x1e: {  	[sflag:s15] =	ssyncset.done $0x0  }
0x1f: {  	s14 =	simm.s32 $0x400;
	[sflag:s15] =	ssyncadd.s32 $0xFFFFFF60  }
0x20: {  	[tilespmem:s14], [sflag:$0x2] =	stream.indirect.gather [hbm4b:s3+s16], $0x80, s2, s16, $0xb8;
	[tilespmem:$0x15568] =	vst v63  }
0x21: {  	_ = 	snop  }
0x22: {  	[tilespmem:s18], [sflag:$0x3] =	stream.indirect.gather [hbm4b:s3+s16], $0x80, s16, s16, $0xb8;
	[tilespmem:$0x15568] =	vst v63  }
0x23: {  	_ = 	snop  }
0x24: {  	[tilespmem:s20], [sflag:$0x4] =	stream.indirect.gather [hbm4b:s3+s16], $0x80, s19, s16, $0xb8;
	[tilespmem:$0x15568] =	vst v63  }
0x25: {  	_ = 	snop  }
0x26: {  	[tilespmem:s22], [sflag:$0x5] =	stream.indirect.gather [hbm4b:s3+s16], $0x80, s21, s16, $0xb8;
	[tilespmem:$0x15568] =	vst v63  }
0x27: {  	v2 =	vld [tilespmem:$0x15400]  }
0x28: {  	v3 =	vld [tilespmem:$0x15410]  }
0x29: {  	v4 =	vld [tilespmem:$0x15420]  }
0x2a: {  	v5 =	vld [tilespmem:$0x15430]  }
0x2b: {  	v6 =	vld [tilespmem:$0x15440]  }
0x2c: {  	[tilespmem:$0x154A0] =	vst v2;
	v2 =	vld [tilespmem:$0x15450]  }
0x2d: {  	[tilespmem:$0x154B0] =	vst v3;
	v3 =	vld [tilespmem:$0x15460]  }
0x2e: {  	[tilespmem:$0x154C8] =	vst v4;
	v4 =	vld [tilespmem:$0x15470]  }
0x2f: {  	[tilespmem:$0x154D8] =	vst v5;
	v5 =	vld [tilespmem:$0x15480]  }
0x30: {  	v7 =	vor.u32 s2, v0;
	[tilespmem:$0x154F0] =	vst v6;
	v6 =	vld [tilespmem:$0x15490]  }
0x31: {  	[tilespmem:$0x15500] =	vst v2;
	v2 =	vand.u32 v1, v7  }
0x32: {  	[tilespmem:$0x15518] =	vst v3  }
0x33: {  	[tilespmem:$0x15528] =	vst v4  }
0x34: {  	[tilespmem:$0x15540] =	vst v5  }
0x35: {  	[tilespmem:$0x15550] =	vst v6  }
0x36: {  	v2 =	vld.idx.msk [tilespmem:v2+s13+$0x0], $0xffff;
	_ =	sdelay $0x4  }
0x37: {  	v2 =	vmul.u32 $0x28, v2;
	_ =	sdelay $0x4  }
0x38: {  	v5 =	vmul.u32 $0x28, v7  }
0x39: {  	v3 =	vld.idx.msk [tilespmem:v2+s23+$0x0], $0xffff  }
0x3a: {  	v4 =	vor.u32 $0x1, v2;
	_ =	sdelay $0x3  }
0x3b: {  	[tilespmem:v5+s24+$0x0] =	vst.idx.msk $0xffff, v3  }
0x3c: {  	v3 =	vld.idx.msk [tilespmem:v4+s23+$0x0], $0xffff;
	v4 =	vor.u32 $0x1, v5  }
0x3d: {  	v6 =	vor.u32 $0x2, v2;
	_ =	sdelay $0x3  }
0x3e: {  	[tilespmem:v4+s24+$0x0] =	vst.idx.msk $0xffff, v3  }
0x3f: {  	v4 =	vor.u32 $0x2, v5;
	v3 =	vld.idx.msk [tilespmem:v6+s23+$0x0], $0xffff  }
0x40: {  	v6 =	vor.u32 $0x3, v2;
	_ =	sdelay $0x3  }
0x41: {  	[tilespmem:v4+s24+$0x0] =	vst.idx.msk $0xffff, v3  }
0x42: {  	v4 =	vor.u32 $0x3, v5;
	v3 =	vld.idx.msk [tilespmem:v6+s23+$0x0], $0xffff  }
0x43: {  	v6 =	vor.u32 $0x4, v2;
	_ =	sdelay $0x3  }
0x44: {  	[tilespmem:v4+s24+$0x0] =	vst.idx.msk $0xffff, v3  }
0x45: {  	v4 =	vor.u32 $0x4, v5;
	v3 =	vld.idx.msk [tilespmem:v6+s23+$0x0], $0xffff  }
0x46: {  	v6 =	vor.u32 $0x5, v2;
	_ =	sdelay $0x3  }
0x47: {  	[tilespmem:v4+s24+$0x0] =	vst.idx.msk $0xffff, v3  }
0x48: {  	v4 =	vor.u32 $0x5, v5;
	v3 =	vld.idx.msk [tilespmem:v6+s23+$0x0], $0xffff  }
0x49: {  	v6 =	vor.u32 $0x6, v2;
	_ =	sdelay $0x3  }
0x4a: {  	[tilespmem:v4+s24+$0x0] =	vst.idx.msk $0xffff, v3  }
0x4b: {  	v4 =	vor.u32 $0x6, v5;
	v3 =	vld.idx.msk [tilespmem:v6+s23+$0x0], $0xffff  }
0x4c: {  	v6 =	vor.u32 $0x7, v2;
	_ =	sdelay $0x3  }
0x4d: {  	[tilespmem:v4+s24+$0x0] =	vst.idx.msk $0xffff, v3  }
0x4e: {  	v4 =	vor.u32 $0x7, v5;
	v3 =	vld.idx.msk [tilespmem:v6+s23+$0x0], $0xffff  }
0x4f: {  	v6 =	vadd.s32 $0x8, v2;
	_ =	sdelay $0x3  }
0x50: {  	[tilespmem:v4+s24+$0x0] =	vst.idx.msk $0xffff, v3  }
0x51: {  	v4 =	vadd.s32 $0x8, v5;
	v3 =	vld.idx.msk [tilespmem:v6+s23+$0x0], $0xffff  }
0x52: {  	v6 =	vadd.s32 $0x9, v2;
	_ =	sdelay $0x3  }
0x53: {  	[tilespmem:v4+s24+$0x0] =	vst.idx.msk $0xffff, v3  }
0x54: {  	v4 =	vadd.s32 $0x9, v5;
	v3 =	vld.idx.msk [tilespmem:v6+s23+$0x0], $0xffff  }
0x55: {  	v6 =	vadd.s32 $0xA, v2;
	_ =	sdelay $0x3  }
0x56: {  	[tilespmem:v4+s24+$0x0] =	vst.idx.msk $0xffff, v3  }
0x57: {  	v4 =	vadd.s32 $0xA, v5;
	v3 =	vld.idx.msk [tilespmem:v6+s23+$0x0], $0xffff  }
0x58: {  	v6 =	vadd.s32 $0xB, v2;
	_ =	sdelay $0x3  }
0x59: {  	[tilespmem:v4+s24+$0x0] =	vst.idx.msk $0xffff, v3  }
0x5a: {  	v4 =	vadd.s32 $0xB, v5;
	v3 =	vld.idx.msk [tilespmem:v6+s23+$0x0], $0xffff  }
0x5b: {  	v6 =	vadd.s32 $0xC, v2;
	_ =	sdelay $0x3  }
0x5c: {  	[tilespmem:v4+s24+$0x0] =	vst.idx.msk $0xffff, v3  }
0x5d: {  	v4 =	vadd.s32 $0xC, v5;
	v3 =	vld.idx.msk [tilespmem:v6+s23+$0x0], $0xffff  }
0x5e: {  	v6 =	vadd.s32 $0xD, v2;
	_ =	sdelay $0x3  }
0x5f: {  	[tilespmem:v4+s24+$0x0] =	vst.idx.msk $0xffff, v3  }
0x60: {  	v4 =	vadd.s32 $0xD, v5;
	v3 =	vld.idx.msk [tilespmem:v6+s23+$0x0], $0xffff  }
0x61: {  	v6 =	vadd.s32 $0xE, v2;
	_ =	sdelay $0x3  }
0x62: {  	[tilespmem:v4+s24+$0x0] =	vst.idx.msk $0xffff, v3  }
0x63: {  	v4 =	vadd.s32 $0xE, v5;
	v3 =	vld.idx.msk [tilespmem:v6+s23+$0x0], $0xffff  }
0x64: {  	v6 =	vadd.s32 $0xF, v2;
	_ =	sdelay $0x3  }
0x65: {  	[tilespmem:v4+s24+$0x0] =	vst.idx.msk $0xffff, v3  }
0x66: {  	v4 =	vadd.s32 $0xF, v5;
	v3 =	vld.idx.msk [tilespmem:v6+s23+$0x0], $0xffff  }
0x67: {  	v6 =	vadd.s32 $0x10, v2;
	_ =	sdelay $0x3  }
0x68: {  	[tilespmem:v4+s24+$0x0] =	vst.idx.msk $0xffff, v3  }
0x69: {  	v4 =	vadd.s32 $0x10, v5;
	v3 =	vld.idx.msk [tilespmem:v6+s23+$0x0], $0xffff  }
0x6a: {  	v6 =	vadd.s32 $0x11, v2;
	_ =	sdelay $0x3  }
0x6b: {  	[tilespmem:v4+s24+$0x0] =	vst.idx.msk $0xffff, v3  }
0x6c: {  	v4 =	vadd.s32 $0x11, v5;
	v3 =	vld.idx.msk [tilespmem:v6+s23+$0x0], $0xffff  }
0x6d: {  	v6 =	vadd.s32 $0x12, v2;
	_ =	sdelay $0x3  }
0x6e: {  	[tilespmem:v4+s24+$0x0] =	vst.idx.msk $0xffff, v3  }
0x6f: {  	v4 =	vadd.s32 $0x12, v5;
	v3 =	vld.idx.msk [tilespmem:v6+s23+$0x0], $0xffff  }
0x70: {  	v6 =	vadd.s32 $0x13, v2;
	_ =	sdelay $0x3  }
0x71: {  	[tilespmem:v4+s24+$0x0] =	vst.idx.msk $0xffff, v3  }
0x72: {  	v4 =	vadd.s32 $0x13, v5;
	v3 =	vld.idx.msk [tilespmem:v6+s23+$0x0], $0xffff  }
0x73: {  	v6 =	vadd.s32 $0x14, v2;
	_ =	sdelay $0x3  }
0x74: {  	[tilespmem:v4+s24+$0x0] =	vst.idx.msk $0xffff, v3  }
0x75: {  	v4 =	vadd.s32 $0x14, v5;
	v3 =	vld.idx.msk [tilespmem:v6+s23+$0x0], $0xffff  }
0x76: {  	v6 =	vadd.s32 $0x15, v2;
	_ =	sdelay $0x3  }
0x77: {  	[tilespmem:v4+s24+$0x0] =	vst.idx.msk $0xffff, v3  }
0x78: {  	v4 =	vadd.s32 $0x15, v5;
	v3 =	vld.idx.msk [tilespmem:v6+s23+$0x0], $0xffff  }
0x79: {  	v6 =	vadd.s32 $0x16, v2;
	_ =	sdelay $0x3  }
0x7a: {  	[tilespmem:v4+s24+$0x0] =	vst.idx.msk $0xffff, v3  }
0x7b: {  	v4 =	vadd.s32 $0x16, v5;
	v3 =	vld.idx.msk [tilespmem:v6+s23+$0x0], $0xffff  }
0x7c: {  	v6 =	vadd.s32 $0x17, v2;
	_ =	sdelay $0x3  }
0x7d: {  	[tilespmem:v4+s24+$0x0] =	vst.idx.msk $0xffff, v3  }
0x7e: {  	v4 =	vadd.s32 $0x17, v5;
	v3 =	vld.idx.msk [tilespmem:v6+s23+$0x0], $0xffff  }
0x7f: {  	v6 =	vadd.s32 $0x18, v2;
	_ =	sdelay $0x3  }
0x80: {  	[tilespmem:v4+s24+$0x0] =	vst.idx.msk $0xffff, v3  }
0x81: {  	v4 =	vadd.s32 $0x18, v5;
	v3 =	vld.idx.msk [tilespmem:v6+s23+$0x0], $0xffff  }
0x82: {  	v6 =	vadd.s32 $0x19, v2;
	_ =	sdelay $0x3  }
0x83: {  	[tilespmem:v4+s24+$0x0] =	vst.idx.msk $0xffff, v3  }
0x84: {  	v4 =	vadd.s32 $0x19, v5;
	v3 =	vld.idx.msk [tilespmem:v6+s23+$0x0], $0xffff  }
0x85: {  	v6 =	vadd.s32 $0x1A, v2;
	_ =	sdelay $0x3  }
0x86: {  	[tilespmem:v4+s24+$0x0] =	vst.idx.msk $0xffff, v3  }
0x87: {  	v4 =	vadd.s32 $0x1A, v5;
	v3 =	vld.idx.msk [tilespmem:v6+s23+$0x0], $0xffff  }
0x88: {  	v6 =	vadd.s32 $0x1B, v2;
	_ =	sdelay $0x3  }
0x89: {  	[tilespmem:v4+s24+$0x0] =	vst.idx.msk $0xffff, v3  }
0x8a: {  	v4 =	vadd.s32 $0x1B, v5;
	v3 =	vld.idx.msk [tilespmem:v6+s23+$0x0], $0xffff  }
0x8b: {  	v6 =	vadd.s32 $0x1C, v2;
	_ =	sdelay $0x3  }
0x8c: {  	[tilespmem:v4+s24+$0x0] =	vst.idx.msk $0xffff, v3  }
0x8d: {  	v4 =	vadd.s32 $0x1C, v5;
	v3 =	vld.idx.msk [tilespmem:v6+s23+$0x0], $0xffff  }
0x8e: {  	v6 =	vadd.s32 $0x1D, v2;
	_ =	sdelay $0x3  }
0x8f: {  	[tilespmem:v4+s24+$0x0] =	vst.idx.msk $0xffff, v3  }
0x90: {  	v4 =	vadd.s32 $0x1D, v5;
	v3 =	vld.idx.msk [tilespmem:v6+s23+$0x0], $0xffff  }
0x91: {  	v6 =	vadd.s32 $0x1E, v2;
	_ =	sdelay $0x3  }
0x92: {  	[tilespmem:v4+s24+$0x0] =	vst.idx.msk $0xffff, v3  }
0x93: {  	v4 =	vadd.s32 $0x1E, v5;
	v3 =	vld.idx.msk [tilespmem:v6+s23+$0x0], $0xffff  }
0x94: {  	v2 =	vadd.s32 $0x1F, v2;
	_ =	sdelay $0x3  }
0x95: {  	s17 =	simm.s32 $0x10;
	[tilespmem:v4+s24+$0x0] =	vst.idx.msk $0xffff, v3  }
0x96: {  	v5 =	vadd.s32 $0x1F, v5;
	v4 =	vor.u32 s17, v0;
	v3 =	vld.idx.msk [tilespmem:v2+s23+$0x0], $0xffff  }
0x97: {  	s0 =	simm.s32 $0x20;
	v2 =	vand.u32 v1, v4  }
.LBB2_2:
0x98: {  	_ =	sdelay $0x2  }
0x99: {  	p0 =	sne.s32 s0, $0x1F0;
	s1 =	smov.u32 s0;
	s0 =	sadd.s32 $0x10, s0;
	[tilespmem:v5+s24+$0x0] =	vst.idx.msk $0xffff, v3  }
0x9a: {  	v2 =	vld.idx.msk [tilespmem:v2+s13+$0x0], $0xffff;
	_ =	sdelay $0x5  }
0x9b: {  	v3 =	vmul.u32 $0x28, v2;
	_ =	sdelay $0x5  }
0x9c: {  	v2 =	vmul.u32 $0x28, v4;
	v5 =	vld.idx.msk [tilespmem:v3+s23+$0x0], $0xffff;
	_ =	sdelay $0x1  }
0x9d: {  	v4 =	vor.u32 $0x1, v3;
	_ =	sdelay $0x3  }
0x9e: {  	[tilespmem:v2+s24+$0x0] =	vst.idx.msk $0xffff, v5  }
0x9f: {  	v4 =	vld.idx.msk [tilespmem:v4+s23+$0x0], $0xffff  }
0xa0: {  	v5 =	vor.u32 $0x1, v2  }
0xa1: {  	v6 =	vor.u32 $0x2, v3;
	_ =	sdelay $0x3  }
0xa2: {  	[tilespmem:v5+s24+$0x0] =	vst.idx.msk $0xffff, v4  }
0xa3: {  	v4 =	vld.idx.msk [tilespmem:v6+s23+$0x0], $0xffff  }
0xa4: {  	v5 =	vor.u32 $0x2, v2  }
0xa5: {  	v6 =	vor.u32 $0x3, v3;
	_ =	sdelay $0x3  }
0xa6: {  	[tilespmem:v5+s24+$0x0] =	vst.idx.msk $0xffff, v4  }
0xa7: {  	v4 =	vld.idx.msk [tilespmem:v6+s23+$0x0], $0xffff  }
0xa8: {  	v5 =	vor.u32 $0x3, v2  }
0xa9: {  	v6 =	vor.u32 $0x4, v3;
	_ =	sdelay $0x3  }
0xaa: {  	[tilespmem:v5+s24+$0x0] =	vst.idx.msk $0xffff, v4  }
0xab: {  	v4 =	vld.idx.msk [tilespmem:v6+s23+$0x0], $0xffff  }
0xac: {  	v5 =	vor.u32 $0x4, v2  }
0xad: {  	v6 =	vor.u32 $0x5, v3;
	_ =	sdelay $0x3  }
0xae: {  	[tilespmem:v5+s24+$0x0] =	vst.idx.msk $0xffff, v4  }
0xaf: {  	v4 =	vld.idx.msk [tilespmem:v6+s23+$0x0], $0xffff  }
0xb0: {  	v5 =	vor.u32 $0x5, v2  }
0xb1: {  	v6 =	vor.u32 $0x6, v3;
	_ =	sdelay $0x3  }
0xb2: {  	[tilespmem:v5+s24+$0x0] =	vst.idx.msk $0xffff, v4  }
0xb3: {  	v4 =	vld.idx.msk [tilespmem:v6+s23+$0x0], $0xffff  }
0xb4: {  	v5 =	vor.u32 $0x6, v2  }
0xb5: {  	v6 =	vor.u32 $0x7, v3;
	_ =	sdelay $0x3  }
0xb6: {  	[tilespmem:v5+s24+$0x0] =	vst.idx.msk $0xffff, v4  }
0xb7: {  	v4 =	vld.idx.msk [tilespmem:v6+s23+$0x0], $0xffff  }
0xb8: {  	v5 =	vor.u32 $0x7, v2  }
0xb9: {  	v6 =	vadd.s32 $0x8, v3;
	_ =	sdelay $0x3  }
0xba: {  	[tilespmem:v5+s24+$0x0] =	vst.idx.msk $0xffff, v4  }
0xbb: {  	v4 =	vld.idx.msk [tilespmem:v6+s23+$0x0], $0xffff  }
0xbc: {  	v5 =	vadd.s32 $0x8, v2  }
0xbd: {  	v6 =	vadd.s32 $0x9, v3;
	_ =	sdelay $0x3  }
0xbe: {  	[tilespmem:v5+s24+$0x0] =	vst.idx.msk $0xffff, v4  }
0xbf: {  	v4 =	vld.idx.msk [tilespmem:v6+s23+$0x0], $0xffff  }
0xc0: {  	v5 =	vadd.s32 $0x9, v2  }
0xc1: {  	v6 =	vadd.s32 $0xA, v3;
	_ =	sdelay $0x3  }
0xc2: {  	[tilespmem:v5+s24+$0x0] =	vst.idx.msk $0xffff, v4  }
0xc3: {  	v4 =	vld.idx.msk [tilespmem:v6+s23+$0x0], $0xffff  }
0xc4: {  	v5 =	vadd.s32 $0xA, v2  }
0xc5: {  	v6 =	vadd.s32 $0xB, v3;
	_ =	sdelay $0x3  }
0xc6: {  	[tilespmem:v5+s24+$0x0] =	vst.idx.msk $0xffff, v4  }
0xc7: {  	v4 =	vld.idx.msk [tilespmem:v6+s23+$0x0], $0xffff  }
0xc8: {  	v5 =	vadd.s32 $0xB, v2  }
0xc9: {  	v6 =	vadd.s32 $0xC, v3;
	_ =	sdelay $0x3  }
0xca: {  	[tilespmem:v5+s24+$0x0] =	vst.idx.msk $0xffff, v4  }
0xcb: {  	v4 =	vld.idx.msk [tilespmem:v6+s23+$0x0], $0xffff  }
0xcc: {  	v5 =	vadd.s32 $0xC, v2  }
0xcd: {  	v6 =	vadd.s32 $0xD, v3;
	_ =	sdelay $0x3  }
0xce: {  	[tilespmem:v5+s24+$0x0] =	vst.idx.msk $0xffff, v4  }
0xcf: {  	v4 =	vld.idx.msk [tilespmem:v6+s23+$0x0], $0xffff  }
0xd0: {  	v5 =	vadd.s32 $0xD, v2  }
0xd1: {  	v6 =	vadd.s32 $0xE, v3;
	_ =	sdelay $0x3  }
0xd2: {  	[tilespmem:v5+s24+$0x0] =	vst.idx.msk $0xffff, v4  }
0xd3: {  	v4 =	vld.idx.msk [tilespmem:v6+s23+$0x0], $0xffff  }
0xd4: {  	v5 =	vadd.s32 $0xE, v2  }
0xd5: {  	v6 =	vadd.s32 $0xF, v3;
	_ =	sdelay $0x3  }
0xd6: {  	[tilespmem:v5+s24+$0x0] =	vst.idx.msk $0xffff, v4  }
0xd7: {  	v4 =	vld.idx.msk [tilespmem:v6+s23+$0x0], $0xffff  }
0xd8: {  	v5 =	vadd.s32 $0xF, v2  }
0xd9: {  	v6 =	vadd.s32 $0x10, v3;
	_ =	sdelay $0x3  }
0xda: {  	[tilespmem:v5+s24+$0x0] =	vst.idx.msk $0xffff, v4  }
0xdb: {  	v4 =	vld.idx.msk [tilespmem:v6+s23+$0x0], $0xffff  }
0xdc: {  	v5 =	vadd.s32 $0x10, v2  }
0xdd: {  	v6 =	vadd.s32 $0x11, v3;
	_ =	sdelay $0x3  }
0xde: {  	[tilespmem:v5+s24+$0x0] =	vst.idx.msk $0xffff, v4  }
0xdf: {  	v4 =	vld.idx.msk [tilespmem:v6+s23+$0x0], $0xffff  }
0xe0: {  	v5 =	vadd.s32 $0x11, v2  }
0xe1: {  	v6 =	vadd.s32 $0x12, v3;
	_ =	sdelay $0x3  }
0xe2: {  	[tilespmem:v5+s24+$0x0] =	vst.idx.msk $0xffff, v4  }
0xe3: {  	v4 =	vld.idx.msk [tilespmem:v6+s23+$0x0], $0xffff  }
0xe4: {  	v5 =	vadd.s32 $0x12, v2  }
0xe5: {  	v6 =	vadd.s32 $0x13, v3;
	_ =	sdelay $0x3  }
0xe6: {  	[tilespmem:v5+s24+$0x0] =	vst.idx.msk $0xffff, v4  }
0xe7: {  	v4 =	vld.idx.msk [tilespmem:v6+s23+$0x0], $0xffff  }
0xe8: {  	v5 =	vadd.s32 $0x13, v2  }
0xe9: {  	v6 =	vadd.s32 $0x14, v3;
	_ =	sdelay $0x3  }
0xea: {  	[tilespmem:v5+s24+$0x0] =	vst.idx.msk $0xffff, v4  }
0xeb: {  	v4 =	vld.idx.msk [tilespmem:v6+s23+$0x0], $0xffff  }
0xec: {  	v5 =	vadd.s32 $0x14, v2  }
0xed: {  	v6 =	vadd.s32 $0x15, v3;
	_ =	sdelay $0x3  }
0xee: {  	[tilespmem:v5+s24+$0x0] =	vst.idx.msk $0xffff, v4  }
0xef: {  	v4 =	vld.idx.msk [tilespmem:v6+s23+$0x0], $0xffff  }
0xf0: {  	v5 =	vadd.s32 $0x15, v2  }
0xf1: {  	v6 =	vadd.s32 $0x16, v3;
	_ =	sdelay $0x3  }
0xf2: {  	[tilespmem:v5+s24+$0x0] =	vst.idx.msk $0xffff, v4  }
0xf3: {  	v4 =	vld.idx.msk [tilespmem:v6+s23+$0x0], $0xffff  }
0xf4: {  	v5 =	vadd.s32 $0x16, v2  }
0xf5: {  	v6 =	vadd.s32 $0x17, v3;
	_ =	sdelay $0x3  }
0xf6: {  	[tilespmem:v5+s24+$0x0] =	vst.idx.msk $0xffff, v4  }
0xf7: {  	v4 =	vld.idx.msk [tilespmem:v6+s23+$0x0], $0xffff  }
0xf8: {  	v5 =	vadd.s32 $0x17, v2  }
0xf9: {  	v6 =	vadd.s32 $0x18, v3;
	_ =	sdelay $0x3  }
0xfa: {  	[tilespmem:v5+s24+$0x0] =	vst.idx.msk $0xffff, v4  }
0xfb: {  	v4 =	vld.idx.msk [tilespmem:v6+s23+$0x0], $0xffff  }
0xfc: {  	v5 =	vadd.s32 $0x18, v2  }
0xfd: {  	v6 =	vadd.s32 $0x19, v3;
	_ =	sdelay $0x3  }
0xfe: {  	[tilespmem:v5+s24+$0x0] =	vst.idx.msk $0xffff, v4  }
0xff: {  	v4 =	vld.idx.msk [tilespmem:v6+s23+$0x0], $0xffff  }
0x100: {  	v5 =	vadd.s32 $0x19, v2  }
0x101: {  	v6 =	vadd.s32 $0x1A, v3;
	_ =	sdelay $0x3  }
0x102: {  	[tilespmem:v5+s24+$0x0] =	vst.idx.msk $0xffff, v4  }
0x103: {  	v4 =	vld.idx.msk [tilespmem:v6+s23+$0x0], $0xffff  }
0x104: {  	v5 =	vadd.s32 $0x1A, v2  }
0x105: {  	v6 =	vadd.s32 $0x1B, v3;
	_ =	sdelay $0x3  }
0x106: {  	[tilespmem:v5+s24+$0x0] =	vst.idx.msk $0xffff, v4  }
0x107: {  	v4 =	vld.idx.msk [tilespmem:v6+s23+$0x0], $0xffff  }
0x108: {  	v5 =	vadd.s32 $0x1B, v2  }
0x109: {  	v6 =	vadd.s32 $0x1C, v3;
	_ =	sdelay $0x3  }
0x10a: {  	[tilespmem:v5+s24+$0x0] =	vst.idx.msk $0xffff, v4  }
0x10b: {  	v4 =	vld.idx.msk [tilespmem:v6+s23+$0x0], $0xffff  }
0x10c: {  	v5 =	vadd.s32 $0x1C, v2  }
0x10d: {  	v6 =	vadd.s32 $0x1D, v3;
	_ =	sdelay $0x3  }
0x10e: {  	[tilespmem:v5+s24+$0x0] =	vst.idx.msk $0xffff, v4  }
0x10f: {  	v4 =	vld.idx.msk [tilespmem:v6+s23+$0x0], $0xffff  }
0x110: {  	v5 =	vadd.s32 $0x1D, v2  }
0x111: {  	v6 =	vadd.s32 $0x1E, v3;
	_ =	sdelay $0x3  }
0x112: {  	[tilespmem:v5+s24+$0x0] =	vst.idx.msk $0xffff, v4  }
0x113: {  	v4 =	vld.idx.msk [tilespmem:v6+s23+$0x0], $0xffff  }
0x114: {  	v5 =	vadd.s32 $0x1E, v2  }
0x115: {  	v3 =	vadd.s32 $0x1F, v3;
	_ =	sdelay $0x2  }
.Ltmp0:
0x116: {  	(pc) =	sbr.rel @p0 .LBB2_2-.Ltmp0, $4  }
0x117: {  	[tilespmem:v5+s24+$0x0] =	vst.idx.msk $0xffff, v4  }
0x118: {  	v3 =	vld.idx.msk [tilespmem:v3+s23+$0x0], $0xffff  }
0x119: {  	v4 =	vor.u32 s1, v0;
	v5 =	vadd.s32 $0x1F, v2  }
0x11a: {  	v2 =	vand.u32 v1, v4  }
0x11b: {  	_ =	sdelay $0x3  }
0x11c: {  	[tilespmem:v5+s24+$0x0] =	vst.idx.msk $0xffff, v3  }
0x11d: {  	v2 =	vld.idx.msk [tilespmem:v2+s13+$0x0], $0xffff;
	_ =	sdelay $0x4  }
0x11e: {  	v2 =	vmul.u32 $0x28, v2;
	_ =	sdelay $0x4  }
0x11f: {  	v3 =	vmul.u32 $0x28, v4  }
0x120: {  	v59 =	vld.idx.msk [tilespmem:v2+s23+$0x0], $0xffff  }
0x121: {  	v60 =	vor.u32 $0x1, v2;
	_ =	sdelay $0x3  }
0x122: {  	[tilespmem:v3+s24+$0x0] =	vst.idx.msk $0xffff, v59  }
0x123: {  	v61 =	vor.u32 $0x1, v3;
	v4 =	vld.idx.msk [tilespmem:v60+s23+$0x0], $0xffff  }
0x124: {  	v6 =	vor.u32 $0x2, v2;
	_ =	sdelay $0x3  }
0x125: {  	[tilespmem:v61+s24+$0x0] =	vst.idx.msk $0xffff, v4  }
0x126: {  	v62 =	vor.u32 $0x2, v3;
	v4 =	vld.idx.msk [tilespmem:v6+s23+$0x0], $0xffff  }
0x127: {  	v63 =	vor.u32 $0x3, v2;
	_ =	sdelay $0x3  }
0x128: {  	[tilespmem:v62+s24+$0x0] =	vst.idx.msk $0xffff, v4  }
0x129: {  	v9 =	vor.u32 $0x3, v3;
	v4 =	vld.idx.msk [tilespmem:v63+s23+$0x0], $0xffff  }
0x12a: {  	v10 =	vor.u32 $0x4, v2;
	_ =	sdelay $0x3  }
0x12b: {  	[tilespmem:v9+s24+$0x0] =	vst.idx.msk $0xffff, v4  }
0x12c: {  	v11 =	vor.u32 $0x4, v3;
	v4 =	vld.idx.msk [tilespmem:v10+s23+$0x0], $0xffff  }
0x12d: {  	v12 =	vor.u32 $0x5, v2;
	_ =	sdelay $0x3  }
0x12e: {  	[tilespmem:v11+s24+$0x0] =	vst.idx.msk $0xffff, v4  }
0x12f: {  	v13 =	vor.u32 $0x5, v3;
	v4 =	vld.idx.msk [tilespmem:v12+s23+$0x0], $0xffff  }
0x130: {  	v14 =	vor.u32 $0x6, v2;
	_ =	sdelay $0x3  }
0x131: {  	[tilespmem:v13+s24+$0x0] =	vst.idx.msk $0xffff, v4  }
0x132: {  	v15 =	vor.u32 $0x6, v3;
	v4 =	vld.idx.msk [tilespmem:v14+s23+$0x0], $0xffff  }
0x133: {  	v16 =	vor.u32 $0x7, v2;
	_ =	sdelay $0x3  }
0x134: {  	[tilespmem:v15+s24+$0x0] =	vst.idx.msk $0xffff, v4  }
0x135: {  	v17 =	vor.u32 $0x7, v3;
	v4 =	vld.idx.msk [tilespmem:v16+s23+$0x0], $0xffff  }
0x136: {  	v18 =	vadd.s32 $0x8, v2;
	_ =	sdelay $0x3  }
0x137: {  	[tilespmem:v17+s24+$0x0] =	vst.idx.msk $0xffff, v4  }
0x138: {  	v19 =	vadd.s32 $0x8, v3;
	v4 =	vld.idx.msk [tilespmem:v18+s23+$0x0], $0xffff  }
0x139: {  	v20 =	vadd.s32 $0x9, v2;
	_ =	sdelay $0x3  }
0x13a: {  	[tilespmem:v19+s24+$0x0] =	vst.idx.msk $0xffff, v4  }
0x13b: {  	v21 =	vadd.s32 $0x9, v3;
	v4 =	vld.idx.msk [tilespmem:v20+s23+$0x0], $0xffff  }
0x13c: {  	v22 =	vadd.s32 $0xA, v2;
	_ =	sdelay $0x3  }
0x13d: {  	[tilespmem:v21+s24+$0x0] =	vst.idx.msk $0xffff, v4  }
0x13e: {  	v23 =	vadd.s32 $0xA, v3;
	v4 =	vld.idx.msk [tilespmem:v22+s23+$0x0], $0xffff  }
0x13f: {  	v24 =	vadd.s32 $0xB, v2;
	_ =	sdelay $0x3  }
0x140: {  	[tilespmem:v23+s24+$0x0] =	vst.idx.msk $0xffff, v4  }
0x141: {  	v25 =	vadd.s32 $0xB, v3;
	v4 =	vld.idx.msk [tilespmem:v24+s23+$0x0], $0xffff  }
0x142: {  	v26 =	vadd.s32 $0xC, v2;
	_ =	sdelay $0x3  }
0x143: {  	[tilespmem:v25+s24+$0x0] =	vst.idx.msk $0xffff, v4  }
0x144: {  	v27 =	vadd.s32 $0xC, v3;
	v4 =	vld.idx.msk [tilespmem:v26+s23+$0x0], $0xffff  }
0x145: {  	v28 =	vadd.s32 $0xD, v2;
	_ =	sdelay $0x3  }
0x146: {  	[tilespmem:v27+s24+$0x0] =	vst.idx.msk $0xffff, v4  }
0x147: {  	v29 =	vadd.s32 $0xD, v3;
	v4 =	vld.idx.msk [tilespmem:v28+s23+$0x0], $0xffff  }
0x148: {  	v30 =	vadd.s32 $0xE, v2;
	_ =	sdelay $0x3  }
0x149: {  	[tilespmem:v29+s24+$0x0] =	vst.idx.msk $0xffff, v4  }
0x14a: {  	v31 =	vadd.s32 $0xE, v3;
	v4 =	vld.idx.msk [tilespmem:v30+s23+$0x0], $0xffff  }
0x14b: {  	v32 =	vadd.s32 $0xF, v2;
	_ =	sdelay $0x3  }
0x14c: {  	[tilespmem:v31+s24+$0x0] =	vst.idx.msk $0xffff, v4  }
0x14d: {  	v33 =	vadd.s32 $0xF, v3;
	v4 =	vld.idx.msk [tilespmem:v32+s23+$0x0], $0xffff  }
0x14e: {  	v34 =	vadd.s32 $0x10, v2;
	_ =	sdelay $0x3  }
0x14f: {  	[tilespmem:v33+s24+$0x0] =	vst.idx.msk $0xffff, v4  }
0x150: {  	v35 =	vadd.s32 $0x10, v3;
	v4 =	vld.idx.msk [tilespmem:v34+s23+$0x0], $0xffff  }
0x151: {  	v36 =	vadd.s32 $0x11, v2;
	_ =	sdelay $0x3  }
0x152: {  	[tilespmem:v35+s24+$0x0] =	vst.idx.msk $0xffff, v4  }
0x153: {  	v37 =	vadd.s32 $0x11, v3;
	v4 =	vld.idx.msk [tilespmem:v36+s23+$0x0], $0xffff  }
0x154: {  	v38 =	vadd.s32 $0x12, v2;
	_ =	sdelay $0x3  }
0x155: {  	[tilespmem:v37+s24+$0x0] =	vst.idx.msk $0xffff, v4  }
0x156: {  	v39 =	vadd.s32 $0x12, v3;
	v4 =	vld.idx.msk [tilespmem:v38+s23+$0x0], $0xffff  }
0x157: {  	v40 =	vadd.s32 $0x13, v2;
	_ =	sdelay $0x3  }
0x158: {  	[tilespmem:v39+s24+$0x0] =	vst.idx.msk $0xffff, v4  }
0x159: {  	v41 =	vadd.s32 $0x13, v3;
	v4 =	vld.idx.msk [tilespmem:v40+s23+$0x0], $0xffff  }
0x15a: {  	v42 =	vadd.s32 $0x14, v2;
	_ =	sdelay $0x3  }
0x15b: {  	[tilespmem:v41+s24+$0x0] =	vst.idx.msk $0xffff, v4  }
0x15c: {  	v43 =	vadd.s32 $0x14, v3;
	v4 =	vld.idx.msk [tilespmem:v42+s23+$0x0], $0xffff  }
0x15d: {  	v44 =	vadd.s32 $0x15, v2;
	_ =	sdelay $0x3  }
0x15e: {  	[tilespmem:v43+s24+$0x0] =	vst.idx.msk $0xffff, v4  }
0x15f: {  	v45 =	vadd.s32 $0x15, v3;
	v4 =	vld.idx.msk [tilespmem:v44+s23+$0x0], $0xffff  }
0x160: {  	v46 =	vadd.s32 $0x16, v2;
	_ =	sdelay $0x3  }
0x161: {  	[tilespmem:v45+s24+$0x0] =	vst.idx.msk $0xffff, v4  }
0x162: {  	v47 =	vadd.s32 $0x16, v3;
	v4 =	vld.idx.msk [tilespmem:v46+s23+$0x0], $0xffff  }
0x163: {  	v48 =	vadd.s32 $0x17, v2;
	_ =	sdelay $0x3  }
0x164: {  	[tilespmem:v47+s24+$0x0] =	vst.idx.msk $0xffff, v4  }
0x165: {  	v49 =	vadd.s32 $0x17, v3;
	v4 =	vld.idx.msk [tilespmem:v48+s23+$0x0], $0xffff  }
0x166: {  	v50 =	vadd.s32 $0x18, v2;
	_ =	sdelay $0x3  }
0x167: {  	[tilespmem:v49+s24+$0x0] =	vst.idx.msk $0xffff, v4  }
0x168: {  	v51 =	vadd.s32 $0x18, v3;
	v4 =	vld.idx.msk [tilespmem:v50+s23+$0x0], $0xffff  }
0x169: {  	v52 =	vadd.s32 $0x19, v2;
	_ =	sdelay $0x3  }
0x16a: {  	[tilespmem:v51+s24+$0x0] =	vst.idx.msk $0xffff, v4  }
0x16b: {  	v53 =	vadd.s32 $0x19, v3;
	v4 =	vld.idx.msk [tilespmem:v52+s23+$0x0], $0xffff  }
0x16c: {  	v54 =	vadd.s32 $0x1A, v2;
	_ =	sdelay $0x3  }
0x16d: {  	[tilespmem:v53+s24+$0x0] =	vst.idx.msk $0xffff, v4  }
0x16e: {  	v55 =	vadd.s32 $0x1A, v3;
	v4 =	vld.idx.msk [tilespmem:v54+s23+$0x0], $0xffff  }
0x16f: {  	v56 =	vadd.s32 $0x1B, v2;
	_ =	sdelay $0x3  }
0x170: {  	[tilespmem:v55+s24+$0x0] =	vst.idx.msk $0xffff, v4  }
0x171: {  	v57 =	vadd.s32 $0x1B, v3;
	v4 =	vld.idx.msk [tilespmem:v56+s23+$0x0], $0xffff  }
0x172: {  	v58 =	vadd.s32 $0x1C, v2;
	_ =	sdelay $0x3  }
0x173: {  	[tilespmem:v57+s24+$0x0] =	vst.idx.msk $0xffff, v4  }
0x174: {  	v59 =	vadd.s32 $0x1C, v3;
	v4 =	vld.idx.msk [tilespmem:v58+s23+$0x0], $0xffff  }
0x175: {  	v60 =	vadd.s32 $0x1D, v2;
	_ =	sdelay $0x3  }
0x176: {  	[tilespmem:v59+s24+$0x0] =	vst.idx.msk $0xffff, v4  }
0x177: {  	v61 =	vadd.s32 $0x1D, v3;
	v4 =	vld.idx.msk [tilespmem:v60+s23+$0x0], $0xffff  }
0x178: {  	v62 =	vadd.s32 $0x1E, v2;
	_ =	sdelay $0x3  }
0x179: {  	[tilespmem:v61+s24+$0x0] =	vst.idx.msk $0xffff, v4  }
0x17a: {  	v63 =	vadd.s32 $0x1E, v3;
	v4 =	vld.idx.msk [tilespmem:v62+s23+$0x0], $0xffff  }
0x17b: {  	v2 =	vadd.s32 $0x1F, v2;
	_ =	sdelay $0x3  }
0x17c: {  	[tilespmem:v63+s24+$0x0] =	vst.idx.msk $0xffff, v4  }
0x17d: {  	v3 =	vadd.s32 $0x1F, v3;
	v2 =	vld.idx.msk [tilespmem:v2+s23+$0x0], $0xffff;
	_ =	sdelay $0x3  }
0x17e: {  	s0 =	simm.s32 $0x10400  }
0x17f: {  	s1 =	simm.s32 $0x8;
	s17 =	sadd.s32 $0x0, s8;
	s14 =	simm.s32 $0x10428;
	[tilespmem:v3+s24+$0x0] =	vst.idx.msk $0xffff, v2  }
.LBB2_4:
0x180: {  	[hbm4b:s17+s2] =	stream.linear.scatter [tilespmem:s0], [sflag:$0x6], $0x20, $0x38;
	[tilespmem:$0x15568] =	vst v63  }
0x181: {  	s17 =	smov.u32 s1;
	s0 =	smov.u32 s14;
	p0 =	sne.s32 s1, $0xFF8  }
.Ltmp1:
0x182: {  	s1 =	sadd.s32 $0x8, s1;
	(pc) =	sbr.rel @p0 .LBB2_4-.Ltmp1, $2  }
0x183: {  	_ =	sdelay $0x2  }
0x184: {  	s14 =	sadd.s32 $0x28, s14;
	s17 =	sadd.s32 s17, s8  }
0x185: {  	[hbm4b:s17+s2] =	stream.linear.scatter [tilespmem:s0], [sflag:$0x6], $0x20, $0x38;
	[tilespmem:$0x15568] =	vst v63  }
0x186: {  	_ =	swait.ge [sflag:s25], $0x4000  }
0x187: {  	s0 =	simm.s32 $0x400;
	s1 =	simm.s32 $0x8;
	[sflag:s25] =	ssyncset.done $0x0  }
0x188: {  	s17 =	sadd.s32 $0x0, s6;
	s14 =	simm.s32 $0x480;
	[sflag:s25] =	ssyncadd.s32 $0xFFFFC000  }
.LBB2_6:
0x189: {  	[hbm4b:s17+s2] =	stream.linear.scatter [tilespmem:s0], [sflag:$0x6], $0x20, $0x38;
	[tilespmem:$0x15568] =	vst v63  }
0x18a: {  	s17 =	smov.u32 s1;
	s0 =	smov.u32 s14;
	p0 =	sne.s32 s1, $0x3F8  }
.Ltmp2:
0x18b: {  	s1 =	sadd.s32 $0x8, s1;
	(pc) =	sbr.rel @p0 .LBB2_6-.Ltmp2, $2  }
0x18c: {  	_ =	sdelay $0x2  }
0x18d: {  	s14 =	sadd.s32 $0x80, s14;
	s17 =	sadd.s32 s17, s6  }
0x18e: {  	[hbm4b:s17+s2] =	stream.linear.scatter [tilespmem:s0], [sflag:$0x6], $0x20, $0x38;
	[tilespmem:$0x15568] =	vst v63  }
0x18f: {  	_ =	swait.ge [sflag:s26], $0x4000  }
0x190: {  	s0 =	simm.s32 $0x4400;
	s1 =	simm.s32 $0x8;
	[sflag:s26] =	ssyncset.done $0x0  }
0x191: {  	s17 =	sadd.s32 $0x0, s9;
	s14 =	simm.s32 $0x4480;
	[sflag:s26] =	ssyncadd.s32 $0xFFFFC000  }
.LBB2_8:
0x192: {  	[hbm4b:s17+s2] =	stream.linear.scatter [tilespmem:s0], [sflag:$0x6], $0x20, $0x38;
	[tilespmem:$0x15568] =	vst v63  }
0x193: {  	s17 =	smov.u32 s1;
	s0 =	smov.u32 s14;
	p0 =	sne.s32 s1, $0x3F8  }
.Ltmp3:
0x194: {  	s1 =	sadd.s32 $0x8, s1;
	(pc) =	sbr.rel @p0 .LBB2_8-.Ltmp3, $2  }
0x195: {  	_ =	sdelay $0x2  }
0x196: {  	s14 =	sadd.s32 $0x80, s14;
	s17 =	sadd.s32 s17, s9  }
0x197: {  	[hbm4b:s17+s2] =	stream.linear.scatter [tilespmem:s0], [sflag:$0x6], $0x20, $0x38;
	[tilespmem:$0x15568] =	vst v63  }
0x198: {  	_ =	swait.ge [sflag:s28], $0x4000  }
0x199: {  	s0 =	simm.s32 $0x8400;
	s1 =	simm.s32 $0x8;
	[sflag:s28] =	ssyncset.done $0x0  }
0x19a: {  	s17 =	sadd.s32 $0x0, s10;
	s14 =	simm.s32 $0x8480;
	[sflag:s28] =	ssyncadd.s32 $0xFFFFC000  }
.LBB2_10:
0x19b: {  	[hbm4b:s17+s2] =	stream.linear.scatter [tilespmem:s0], [sflag:$0x6], $0x20, $0x38;
	[tilespmem:$0x15568] =	vst v63  }
0x19c: {  	s17 =	smov.u32 s1;
	s0 =	smov.u32 s14;
	p0 =	sne.s32 s1, $0x3F8  }
.Ltmp4:
0x19d: {  	s1 =	sadd.s32 $0x8, s1;
	(pc) =	sbr.rel @p0 .LBB2_10-.Ltmp4, $2  }
0x19e: {  	_ =	sdelay $0x2  }
0x19f: {  	s14 =	sadd.s32 $0x80, s14;
	s17 =	sadd.s32 s17, s10  }
0x1a0: {  	[hbm4b:s17+s2] =	stream.linear.scatter [tilespmem:s0], [sflag:$0x6], $0x20, $0x38;
	[tilespmem:$0x15568] =	vst v63  }
0x1a1: {  	_ =	swait.ge [sflag:s29], $0x4000  }
0x1a2: {  	s0 =	simm.s32 $0xC400;
	s1 =	simm.s32 $0x8;
	[sflag:s29] =	ssyncset.done $0x0  }
0x1a3: {  	s17 =	sadd.s32 $0x0, s11;
	s14 =	simm.s32 $0xC480;
	[sflag:s29] =	ssyncadd.s32 $0xFFFFC000  }
.LBB2_12:
0x1a4: {  	[hbm4b:s17+s2] =	stream.linear.scatter [tilespmem:s0], [sflag:$0x6], $0x20, $0x38;
	[tilespmem:$0x15568] =	vst v63  }
0x1a5: {  	s17 =	smov.u32 s1;
	s0 =	smov.u32 s14;
	p0 =	sne.s32 s1, $0x3F8  }
.Ltmp5:
0x1a6: {  	s1 =	sadd.s32 $0x8, s1;
	(pc) =	sbr.rel @p0 .LBB2_12-.Ltmp5, $2  }
0x1a7: {  	_ =	sdelay $0x2  }
0x1a8: {  	s14 =	sadd.s32 $0x80, s14;
	s17 =	sadd.s32 s17, s11  }
0x1a9: {  	[hbm4b:s17+s2] =	stream.linear.scatter [tilespmem:s0], [sflag:$0x6], $0x20, $0x38;
	[tilespmem:$0x15568] =	vst v63  }
0x1aa: {  	_ =	swait.ge [sflag:s30], $0x4000  }
0x1ab: {  	[sflag:s30] =	ssyncset.done $0x0  }
0x1ac: {  	[sflag:s30] =	ssyncadd.s32 $0xFFFFC000  }
0x1ad: {  	_ =	swait.ge [sflag:s30], $0x1000  }
0x1ae: {  	[sflag:s30] =	ssyncset.done $0x0  }
0x1af: {  	[sflag:s30] =	ssyncadd.s32 $0xFFFFF000  }
0x1b0: {  	_ =	swait.ge [sflag:s30], $0x1000  }
0x1b1: {  	[sflag:s30] =	ssyncset.done $0x0  }
0x1b2: {  	s31 =	sadd.s32 $0x1, s31;
	[sflag:s30] =	ssyncadd.s32 $0xFFFFF000  }
0x1b3: {  	p0 =	sne.s32 s31, s12;
	_ =	swait.ge [sflag:s30], $0x1000  }
.Ltmp6:
0x1b4: {  	[sflag:s30] =	ssyncset.done $0x0;
	(pc) =	sbr.rel @p0 .LBB2_1-.Ltmp6, $4  }
0x1b5: {  	[sflag:s30] =	ssyncadd.s32 $0xFFFFF000  }
0x1b6: {  	_ =	swait.ge [sflag:s30], $0x1000  }
0x1b7: {  	[sflag:s30] =	ssyncset.done $0x0  }
0x1b8: {  	[sflag:s30] =	ssyncadd.s32 $0xFFFFF000  }
0x1b9: {  	_ =	sfence.sel $0x180000  }
0x1ba: {  	[bflag:$0x0] =	sbarrier.arrive $0xFFFF  }
0x1bb: {  	_ =	strace $0x90000047  }
0x1bc: {  	s0 =	stileid.u32;
	[bflag:$0x2] =	sbarrier.arrive $0xFFFF  }
0x1bd: {  	p0 =	sne.s32 s0, $0x0;
	s0 =	rddreg [dreg:$0x4]  }
0x1be: {  	s0 =	sadd.s32 @!p0 $0x100000, s0  }
0x1bf: {  	[sflag:s0] =	ssyncadd.tile.s32 @!p0 $0x1;
	_ =	shalt  }
.Lfunc_end2:
_tile_overlayer_lowered:
.L_overlay_start_2:
0x1c0: {  	(tag) =	ssettag $0x2  }
0x1c1: {  	s0 =	rddreg [dreg:$0x0];
	s2 =	stileid.u32  }
0x1c2: {  	s1 =	rddreg [dreg:$0x1];
	p0 =	sne.s32 s2, $0x0  }
0x1c3: {  	s3 =	rddreg [dreg:$0x2];
	[bflag:$0x3] =	sbarrier.arrive $0xFFFF;
	s2 =	simm.s32 @!p0 $0x1C07  }
0x1c4: {  	[timem:s3], [sflag:s2] =	dma.local @!p0 [hbm:s0], s1  }
0x1c5: {  	s0 =	simm.s32 @!p0 $0x7  }
0x1c6: {  	_ =	swait.ge @!p0 [sflag:s0], s1  }
0x1c7: {  	s1 =	ssub.s32 @!p0 $0x0, s1;
	[sflag:s0] =	ssyncset.done @!p0 $0x0  }
0x1c8: {  	[sflag:s0] =	ssyncadd.s32 @!p0 s1  }
0x1c9: {  	[bflag:$0x3] =	sbarrier.arrive $0xFFFF  }
0x1ca: {  	_ =	shalt  }

</sc_bundles>
